<compile_context>
chip_gen: v7x
topology: tpu7x:2x2x1
jax: 0.10.2.dev20260603
libtpu: 0.0.44.dev20260713+nightly
codegen_flags: <defaults>
</compile_context>

<pallas_src>
import functools

import jax
import jax.numpy as jnp
from jax import lax
from jax.experimental import pallas as pl
from jax.experimental.pallas import tpu as pltpu
from jax.experimental.pallas import tpu_sc as plsc

NUM_BINS = 100000
L = 16
NC = 2
NS = 16
NW = NC * NS
RCH = 8
NBUF = 3


def _sc_lookup(n_rows, n_cols):
    cols_per_w = n_cols // NW
    n_chunks = n_rows // RCH
    vecs = RCH * cols_per_w // L

    mesh = plsc.VectorSubcoreMesh(core_axis_name="c", subcore_axis_name="s")

    @functools.partial(
        pl.kernel,
        mesh=mesh,
        out_type=jax.ShapeDtypeStruct((n_rows, n_cols), jnp.float32),
        scratch_types=(
            [pltpu.VMEM((NUM_BINS,), jnp.float32)]
            + [pltpu.VMEM((RCH, cols_per_w), jnp.int32) for _ in range(NBUF)]
            + [pltpu.VMEM((RCH, cols_per_w), jnp.float32) for _ in range(NBUF)]
            + [pltpu.SemaphoreType.DMA((NBUF,)),
               pltpu.SemaphoreType.DMA((NBUF,))]
        ),
        compiler_params=pltpu.CompilerParams(needs_layout_passes=False),
    )
    def sc_kernel(idx_hbm, table_hbm, out_hbm, table_v, *rest):
        idx_bufs = rest[:NBUF]
        out_bufs = rest[NBUF:2 * NBUF]
        sem_in, sem_out = rest[2 * NBUF], rest[2 * NBUF + 1]
        wid = lax.axis_index("s") * NC + lax.axis_index("c")
        cbase = wid * cols_per_w
        cshift = (cols_per_w // L).bit_length() - 1

        def in_copy(i, b):
            return pltpu.make_async_copy(
                idx_hbm.at[pl.ds(i * RCH, RCH), pl.ds(cbase, cols_per_w)],
                idx_bufs[b], sem_in.at[b])

        def out_copy(i, b):
            return pltpu.make_async_copy(
                out_bufs[b],
                out_hbm.at[pl.ds(i * RCH, RCH), pl.ds(cbase, cols_per_w)],
                sem_out.at[b])

        for b in range(NBUF):
            in_copy(b, b).start()
        pltpu.sync_copy(table_hbm, table_v)

        def _maybe(cond, fn):
            if isinstance(cond, bool):
                if cond:
                    fn()
            else:
                pl.when(cond)(fn)

        def process(i, b):
            in_copy(i, b).wait()
            _maybe(i >= NBUF, lambda: out_copy(i - NBUF, b).wait())

            @plsc.parallel_loop(0, vecs, unroll=16)
            def _gather(t):
                r = lax.shift_right_logical(t, cshift)
                c = lax.shift_left(t & ((1 << cshift) - 1), 4)
                idx = idx_bufs[b][r, pl.ds(c, L)]
                idx = jnp.minimum(jnp.maximum(idx, 0), NUM_BINS - 1)
                out_bufs[b][r, pl.ds(c, L)] = plsc.load_gather(table_v, [idx])

            out_copy(i, b).start()
            _maybe(i + NBUF < n_chunks, lambda: in_copy(i + NBUF, b).start())

        n_paired = n_chunks - (n_chunks % NBUF)

        @pl.loop(0, n_paired, step=NBUF)
        def _chunks(c0):
            for b in range(NBUF):
                process(c0 + b, b)

        for i in range(n_paired, n_chunks):
            process(i, i % NBUF)

        for i in range(n_chunks - NBUF, n_chunks):
            out_copy(i, i % NBUF).wait()

    return sc_kernel


def kernel(indices, bin_values):
    n_rows, n_cols = indices.shape
    out_t = _sc_lookup(n_cols, n_rows)(indices.astype(jnp.int32).T, bin_values)
    return out_t.T

# --- scband reference (transcript-rebuilt; emitter-appended) ---
"""Pipeline reference for scband-lookup-values-66657892434479 (READ-ONLY COPY).

The authoritative reference and input builder live on the scoring server;
editing this copy changes nothing except your own understanding.
"""

import jax, jax.numpy as jnp
import numpy as np

NUM_BINS = 100000
BATCH = 16384
HIST = 200

def setup_inputs(seed: int = 0) -> dict:
    key = jax.random.key(seed)
    k1, k2 = jax.random.split(key)
    bin_values = jax.random.normal(k1, (NUM_BINS,), dtype=jnp.float32)
    indices = jax.random.randint(k2, (BATCH, HIST), 0, NUM_BINS, dtype=jnp.int64 if jax.config.jax_enable_x64 else jnp.int32)
    return {"indices": indices, "bin_values": bin_values}

def reference(indices, bin_values):
    # clamp indices into valid range, gather, reshape back (faithful to torch.index_select + view_as)
    idx = jnp.clip(indices, 0, bin_values.shape[0] - 1)
    out = jnp.take(bin_values, idx.reshape(-1), axis=0)
    return out.reshape(indices.shape)

if __name__ == "__main__":
    import jax
    _d = setup_inputs()
    print(jax.jit(kernel)(*tuple(_d.values())))

</pallas_src>

<mosaic_0001>
#map = affine_map<(d0, d1) -> (0, 0)>
#map1 = affine_map<(d0, d1) -> (0)>
module attributes {stable_mosaic.version = 14 : i64} {
  func.func @sc_kernel(%arg0: i32, %arg1: i32, %arg2: memref<200x16384xi32, #tpu.memory_space<hbm>>, %arg3: memref<100000xf32, #tpu.memory_space<hbm>>, %arg4: memref<200x16384xf32, #tpu.memory_space<hbm>>, %arg5: memref<100000xf32, #tpu.memory_space<vmem>>, %arg6: memref<8x512xi32, #tpu.memory_space<vmem>>, %arg7: memref<8x512xi32, #tpu.memory_space<vmem>>, %arg8: memref<8x512xi32, #tpu.memory_space<vmem>>, %arg9: memref<8x512xf32, #tpu.memory_space<vmem>>, %arg10: memref<8x512xf32, #tpu.memory_space<vmem>>, %arg11: memref<8x512xf32, #tpu.memory_space<vmem>>, %arg12: memref<3x!tpu.dma_semaphore, #tpu.memory_space<semaphore_mem>>, %arg13: memref<3x!tpu.dma_semaphore, #tpu.memory_space<semaphore_mem>>) attributes {dimension_semantics = [#tpu.dimension_semantics<core_parallel>, #tpu.dimension_semantics<subcore_parallel>], iteration_bounds = array<i64: 2, 16>, scalar_prefetch = 0 : i64, scratch_operands = 9 : i64, tpu.core_type = #tpu.core_type<sc_vector_subcore>, window_params = [{transform_indices = #map}, {transform_indices = #map1}, {transform_indices = #map}]} {
    %mul3A = arith.constant 2 : i32
    %mul3A_0 = arith.muli %arg1, %mul3A : i32
    %add3A = arith.addi %mul3A_0, %arg0 : i32
    %mul3A_1 = arith.constant 512 : i32
    %mul3A_2 = arith.muli %add3A, %mul3A_1 : i32
    %dma_start3A = arith.constant 0 : i32
    %dma_start3A_3 = arith.constant 0 : i32
    %dma_start3A_4 = tpu.memref_slice %arg2[%dma_start3A_3, %mul3A_2] : memref<200x16384xi32, #tpu.memory_space<hbm>> -> memref<8x512xi32, #tpu.memory_space<hbm>>
    %dma_start3A_5 = tpu.memref_slice %arg12[%dma_start3A] : memref<3x!tpu.dma_semaphore, #tpu.memory_space<semaphore_mem>> -> memref<1x!tpu.dma_semaphore, #tpu.memory_space<semaphore_mem>>
    %dma_start3A_6 = tpu.memref_squeeze %dma_start3A_5 : memref<1x!tpu.dma_semaphore, #tpu.memory_space<semaphore_mem>> -> memref<!tpu.dma_semaphore, #tpu.memory_space<semaphore_mem>>
    %dma_start3A_7 = arith.constant 0 : i32
    %dma_start3A_8 = tpu.memref_slice %arg2[%dma_start3A_7, %mul3A_2] : memref<200x16384xi32, #tpu.memory_space<hbm>> -> memref<8x512xi32, #tpu.memory_space<hbm>>
    tpu.enqueue_dma source(%dma_start3A_8 : memref<8x512xi32, #tpu.memory_space<hbm>>) target(%arg6 : memref<8x512xi32, #tpu.memory_space<vmem>>) target_semaphore(%dma_start3A_6 : memref<!tpu.dma_semaphore, #tpu.memory_space<semaphore_mem>>)
    %dma_start3A_9 = arith.constant 1 : i32
    %dma_start3A_10 = arith.constant 8 : i32
    %dma_start3A_11 = tpu.memref_slice %arg2[%dma_start3A_10, %mul3A_2] : memref<200x16384xi32, #tpu.memory_space<hbm>> -> memref<8x512xi32, #tpu.memory_space<hbm>>
    %dma_start3A_12 = tpu.memref_slice %arg12[%dma_start3A_9] : memref<3x!tpu.dma_semaphore, #tpu.memory_space<semaphore_mem>> -> memref<1x!tpu.dma_semaphore, #tpu.memory_space<semaphore_mem>>
    %dma_start3A_13 = tpu.memref_squeeze %dma_start3A_12 : memref<1x!tpu.dma_semaphore, #tpu.memory_space<semaphore_mem>> -> memref<!tpu.dma_semaphore, #tpu.memory_space<semaphore_mem>>
    %dma_start3A_14 = arith.constant 8 : i32
    %dma_start3A_15 = tpu.memref_slice %arg2[%dma_start3A_14, %mul3A_2] : memref<200x16384xi32, #tpu.memory_space<hbm>> -> memref<8x512xi32, #tpu.memory_space<hbm>>
    tpu.enqueue_dma source(%dma_start3A_15 : memref<8x512xi32, #tpu.memory_space<hbm>>) target(%arg7 : memref<8x512xi32, #tpu.memory_space<vmem>>) target_semaphore(%dma_start3A_13 : memref<!tpu.dma_semaphore, #tpu.memory_space<semaphore_mem>>)
    %dma_start3A_16 = arith.constant 2 : i32
    %dma_start3A_17 = arith.constant 16 : i32
    %dma_start3A_18 = tpu.memref_slice %arg2[%dma_start3A_17, %mul3A_2] : memref<200x16384xi32, #tpu.memory_space<hbm>> -> memref<8x512xi32, #tpu.memory_space<hbm>>
    %dma_start3A_19 = tpu.memref_slice %arg12[%dma_start3A_16] : memref<3x!tpu.dma_semaphore, #tpu.memory_space<semaphore_mem>> -> memref<1x!tpu.dma_semaphore, #tpu.memory_space<semaphore_mem>>
    %dma_start3A_20 = tpu.memref_squeeze %dma_start3A_19 : memref<1x!tpu.dma_semaphore, #tpu.memory_space<semaphore_mem>> -> memref<!tpu.dma_semaphore, #tpu.memory_space<semaphore_mem>>
    %dma_start3A_21 = arith.constant 16 : i32
    %dma_start3A_22 = tpu.memref_slice %arg2[%dma_start3A_21, %mul3A_2] : memref<200x16384xi32, #tpu.memory_space<hbm>> -> memref<8x512xi32, #tpu.memory_space<hbm>>
    tpu.enqueue_dma source(%dma_start3A_22 : memref<8x512xi32, #tpu.memory_space<hbm>>) target(%arg8 : memref<8x512xi32, #tpu.memory_space<vmem>>) target_semaphore(%dma_start3A_20 : memref<!tpu.dma_semaphore, #tpu.memory_space<semaphore_mem>>)
    "tpu.region"() ({
      %run_scoped3A = tpu.sem_alloc : memref<!tpu.dma_semaphore, #tpu.memory_space<semaphore_mem>>
      tpu.enqueue_dma source(%arg3 : memref<100000xf32, #tpu.memory_space<hbm>>) target(%arg5 : memref<100000xf32, #tpu.memory_space<vmem>>) target_semaphore(%run_scoped3A : memref<!tpu.dma_semaphore, #tpu.memory_space<semaphore_mem>>)
      tpu.wait_dma2 semaphore(%run_scoped3A : memref<!tpu.dma_semaphore, #tpu.memory_space<semaphore_mem>>) src(%arg3 : memref<100000xf32, #tpu.memory_space<hbm>>) dst(%arg5 : memref<100000xf32, #tpu.memory_space<vmem>>)
      tpu.yield
    }) : () -> ()
    %scan3A = arith.constant 0 : i32
    %scan3A_23 = arith.constant 8 : i32
    %scan3A_24 = arith.addi %scan3A, %scan3A_23 : i32
    %scan3A_25 = arith.constant 1 : i32
    scf.for %scan3A_70 = %scan3A to %scan3A_24 step %scan3A_25  : i32 {
      %mul3A_71 = arith.constant 3 : i32
      %mul3A_72 = arith.muli %scan3A_70, %mul3A_71 : i32
      %add3A_73 = arith.constant 0 : i32
      %add3A_74 = arith.addi %add3A_73, %mul3A_72 : i32
      %add3A_75 = arith.constant 0 : i32
      %add3A_76 = arith.addi %add3A_74, %add3A_75 : i32
      %mul3A_77 = arith.constant 8 : i32
      %mul3A_78 = arith.muli %add3A_76, %mul3A_77 : i32
      %dma_wait3A_79 = arith.constant 0 : i32
      %dma_wait3A_80 = tpu.memref_slice %arg2[%mul3A_78, %mul3A_2] : memref<200x16384xi32, #tpu.memory_space<hbm>> -> memref<8x512xi32, #tpu.memory_space<hbm>>
      %dma_wait3A_81 = tpu.memref_slice %arg12[%dma_wait3A_79] : memref<3x!tpu.dma_semaphore, #tpu.memory_space<semaphore_mem>> -> memref<1x!tpu.dma_semaphore, #tpu.memory_space<semaphore_mem>>
      %dma_wait3A_82 = tpu.memref_squeeze %dma_wait3A_81 : memref<1x!tpu.dma_semaphore, #tpu.memory_space<semaphore_mem>> -> memref<!tpu.dma_semaphore, #tpu.memory_space<semaphore_mem>>
      %dma_wait3A_83 = tpu.memref_slice %arg2[%mul3A_78, %mul3A_2] : memref<200x16384xi32, #tpu.memory_space<hbm>> -> memref<8x512xi32, #tpu.memory_space<hbm>>
      tpu.wait_dma2 semaphore(%dma_wait3A_82 : memref<!tpu.dma_semaphore, #tpu.memory_space<semaphore_mem>>) src(%dma_wait3A_83 : memref<8x512xi32, #tpu.memory_space<hbm>>) dst(%arg6 : memref<8x512xi32, #tpu.memory_space<vmem>>)
      %ge3A = arith.constant 3 : i32
      %ge3A_84 = arith.cmpi sge, %add3A_76, %ge3A : i32
      %convert_element_type3A = arith.extui %ge3A_84 : i1 to i32
      %cond3A = arith.constant 0 : i32
      %cond3A_85 = arith.cmpi ne, %convert_element_type3A, %cond3A : i32
      scf.if %cond3A_85 {
        %sub3A = arith.constant 3 : i32
        %sub3A_164 = arith.subi %add3A_76, %sub3A : i32
        %mul3A_165 = arith.constant 8 : i32
        %mul3A_166 = arith.muli %sub3A_164, %mul3A_165 : i32
        %dma_wait3A_167 = arith.constant 0 : i32
        %dma_wait3A_168 = tpu.memref_slice %arg4[%mul3A_166, %mul3A_2] : memref<200x16384xf32, #tpu.memory_space<hbm>> -> memref<8x512xf32, #tpu.memory_space<hbm>>
        %dma_wait3A_169 = tpu.memref_slice %arg13[%dma_wait3A_167] : memref<3x!tpu.dma_semaphore, #tpu.memory_space<semaphore_mem>> -> memref<1x!tpu.dma_semaphore, #tpu.memory_space<semaphore_mem>>
        %dma_wait3A_170 = tpu.memref_squeeze %dma_wait3A_169 : memref<1x!tpu.dma_semaphore, #tpu.memory_space<semaphore_mem>> -> memref<!tpu.dma_semaphore, #tpu.memory_space<semaphore_mem>>
        %dma_wait3A_171 = tpu.memref_slice %arg4[%mul3A_166, %mul3A_2] : memref<200x16384xf32, #tpu.memory_space<hbm>> -> memref<8x512xf32, #tpu.memory_space<hbm>>
        tpu.wait_dma2 semaphore(%dma_wait3A_170 : memref<!tpu.dma_semaphore, #tpu.memory_space<semaphore_mem>>) src(%arg9 : memref<8x512xf32, #tpu.memory_space<vmem>>) dst(%dma_wait3A_171 : memref<8x512xf32, #tpu.memory_space<hbm>>)
      } else {
      }
      %parallel_loop3A_86 = arith.constant 0 : i32
      %parallel_loop3A_87 = arith.constant 256 : i32
      %parallel_loop3A_88 = arith.constant 1 : i32
      scf.for %parallel_loop3A_164 = %parallel_loop3A_86 to %parallel_loop3A_87 step %parallel_loop3A_88  : i32 {
        %parallel_loop3A_165 = arith.constant 5 : i32
        %parallel_loop3A_166 = arith.shrui %parallel_loop3A_164, %parallel_loop3A_165 : i32
        %parallel_loop3A_167 = arith.constant 31 : i32
        %parallel_loop3A_168 = arith.andi %parallel_loop3A_164, %parallel_loop3A_167 : i32
        %parallel_loop3A_169 = arith.constant 4 : i32
        %parallel_loop3A_170 = arith.shli %parallel_loop3A_168, %parallel_loop3A_169 : i32
        %parallel_loop3A_171 = arith.index_cast %parallel_loop3A_166 : i32 to index
        %parallel_loop3A_172 = arith.index_cast %parallel_loop3A_170 : i32 to index
        %parallel_loop3A_173 = tpu.vector_load %arg6[%parallel_loop3A_171, %parallel_loop3A_172] {strides = array<i32>} : memref<8x512xi32, #tpu.memory_space<vmem>>, vector<16xi32>,
        %parallel_loop3A_174 = arith.constant 0 : i32
        %parallel_loop3A_175 = vector.broadcast %parallel_loop3A_174 : i32 to vector<16xi32>
        %parallel_loop3A_176 = arith.maxsi %parallel_loop3A_173, %parallel_loop3A_175 : vector<16xi32>
        %parallel_loop3A_177 = arith.constant 99999 : i32
        %parallel_loop3A_178 = vector.broadcast %parallel_loop3A_177 : i32 to vector<16xi32>
        %parallel_loop3A_179 = arith.minsi %parallel_loop3A_176, %parallel_loop3A_178 : vector<16xi32>
        %parallel_loop3A_180 = tpu.vector_load_idx %arg5[%parallel_loop3A_179] : memref<100000xf32, #tpu.memory_space<vmem>>[vector<16xi32>], vector<16xf32>,
        %parallel_loop3A_181 = arith.index_cast %parallel_loop3A_166 : i32 to index
        %parallel_loop3A_182 = arith.index_cast %parallel_loop3A_170 : i32 to index
        %parallel_loop3A_183 = tpu.vector_load %arg9[%parallel_loop3A_181, %parallel_loop3A_182] {strides = array<i32>} : memref<8x512xf32, #tpu.memory_space<vmem>>, vector<16xf32>,
        tpu.vector_store %arg9[%parallel_loop3A_181, %parallel_loop3A_182], %parallel_loop3A_180 {strides = array<i32>} : memref<8x512xf32, #tpu.memory_space<vmem>>, vector<16xf32>,
      } {sc.loop_unroll_factor = 16 : i64, sc.parallel_access}
      %mul3A_89 = arith.constant 8 : i32
      %mul3A_90 = arith.muli %add3A_76, %mul3A_89 : i32
      %dma_start3A_91 = arith.constant 0 : i32
      %dma_start3A_92 = tpu.memref_slice %arg4[%mul3A_90, %mul3A_2] : memref<200x16384xf32, #tpu.memory_space<hbm>> -> memref<8x512xf32, #tpu.memory_space<hbm>>
      %dma_start3A_93 = tpu.memref_slice %arg13[%dma_start3A_91] : memref<3x!tpu.dma_semaphore, #tpu.memory_space<semaphore_mem>> -> memref<1x!tpu.dma_semaphore, #tpu.memory_space<semaphore_mem>>
      %dma_start3A_94 = tpu.memref_squeeze %dma_start3A_93 : memref<1x!tpu.dma_semaphore, #tpu.memory_space<semaphore_mem>> -> memref<!tpu.dma_semaphore, #tpu.memory_space<semaphore_mem>>
      %dma_start3A_95 = tpu.memref_slice %arg4[%mul3A_90, %mul3A_2] : memref<200x16384xf32, #tpu.memory_space<hbm>> -> memref<8x512xf32, #tpu.memory_space<hbm>>
      tpu.enqueue_dma source(%arg9 : memref<8x512xf32, #tpu.memory_space<vmem>>) target(%dma_start3A_95 : memref<8x512xf32, #tpu.memory_space<hbm>>) target_semaphore(%dma_start3A_94 : memref<!tpu.dma_semaphore, #tpu.memory_space<semaphore_mem>>)
      %add3A_96 = arith.constant 3 : i32
      %add3A_97 = arith.addi %add3A_76, %add3A_96 : i32
      %lt3A = arith.constant 25 : i32
      %lt3A_98 = arith.cmpi slt, %add3A_97, %lt3A : i32
      %convert_element_type3A_99 = arith.extui %lt3A_98 : i1 to i32
      %cond3A_100 = arith.constant 0 : i32
      %cond3A_101 = arith.cmpi ne, %convert_element_type3A_99, %cond3A_100 : i32
      scf.if %cond3A_101 {
        %add3A_164 = arith.constant 3 : i32
        %add3A_165 = arith.addi %add3A_76, %add3A_164 : i32
        %mul3A_166 = arith.constant 8 : i32
        %mul3A_167 = arith.muli %add3A_165, %mul3A_166 : i32
        %dma_start3A_168 = arith.constant 0 : i32
        %dma_start3A_169 = tpu.memref_slice %arg2[%mul3A_167, %mul3A_2] : memref<200x16384xi32, #tpu.memory_space<hbm>> -> memref<8x512xi32, #tpu.memory_space<hbm>>
        %dma_start3A_170 = tpu.memref_slice %arg12[%dma_start3A_168] : memref<3x!tpu.dma_semaphore, #tpu.memory_space<semaphore_mem>> -> memref<1x!tpu.dma_semaphore, #tpu.memory_space<semaphore_mem>>
        %dma_start3A_171 = tpu.memref_squeeze %dma_start3A_170 : memref<1x!tpu.dma_semaphore, #tpu.memory_space<semaphore_mem>> -> memref<!tpu.dma_semaphore, #tpu.memory_space<semaphore_mem>>
        %dma_start3A_172 = tpu.memref_slice %arg2[%mul3A_167, %mul3A_2] : memref<200x16384xi32, #tpu.memory_space<hbm>> -> memref<8x512xi32, #tpu.memory_space<hbm>>
        tpu.enqueue_dma source(%dma_start3A_172 : memref<8x512xi32, #tpu.memory_space<hbm>>) target(%arg6 : memref<8x512xi32, #tpu.memory_space<vmem>>) target_semaphore(%dma_start3A_171 : memref<!tpu.dma_semaphore, #tpu.memory_space<semaphore_mem>>)
      } else {
      }
      %add3A_102 = arith.constant 1 : i32
      %add3A_103 = arith.addi %add3A_74, %add3A_102 : i32
      %mul3A_104 = arith.constant 8 : i32
      %mul3A_105 = arith.muli %add3A_103, %mul3A_104 : i32
      %dma_wait3A_106 = arith.constant 1 : i32
      %dma_wait3A_107 = tpu.memref_slice %arg2[%mul3A_105, %mul3A_2] : memref<200x16384xi32, #tpu.memory_space<hbm>> -> memref<8x512xi32, #tpu.memory_space<hbm>>
      %dma_wait3A_108 = tpu.memref_slice %arg12[%dma_wait3A_106] : memref<3x!tpu.dma_semaphore, #tpu.memory_space<semaphore_mem>> -> memref<1x!tpu.dma_semaphore, #tpu.memory_space<semaphore_mem>>
      %dma_wait3A_109 = tpu.memref_squeeze %dma_wait3A_108 : memref<1x!tpu.dma_semaphore, #tpu.memory_space<semaphore_mem>> -> memref<!tpu.dma_semaphore, #tpu.memory_space<semaphore_mem>>
      %dma_wait3A_110 = tpu.memref_slice %arg2[%mul3A_105, %mul3A_2] : memref<200x16384xi32, #tpu.memory_space<hbm>> -> memref<8x512xi32, #tpu.memory_space<hbm>>
      tpu.wait_dma2 semaphore(%dma_wait3A_109 : memref<!tpu.dma_semaphore, #tpu.memory_space<semaphore_mem>>) src(%dma_wait3A_110 : memref<8x512xi32, #tpu.memory_space<hbm>>) dst(%arg7 : memref<8x512xi32, #tpu.memory_space<vmem>>)
      %ge3A_111 = arith.constant 3 : i32
      %ge3A_112 = arith.cmpi sge, %add3A_103, %ge3A_111 : i32
      %convert_element_type3A_113 = arith.extui %ge3A_112 : i1 to i32
      %cond3A_114 = arith.constant 0 : i32
      %cond3A_115 = arith.cmpi ne, %convert_element_type3A_113, %cond3A_114 : i32
      scf.if %cond3A_115 {
        %sub3A = arith.constant 3 : i32
        %sub3A_164 = arith.subi %add3A_103, %sub3A : i32
        %mul3A_165 = arith.constant 8 : i32
        %mul3A_166 = arith.muli %sub3A_164, %mul3A_165 : i32
        %dma_wait3A_167 = arith.constant 1 : i32
        %dma_wait3A_168 = tpu.memref_slice %arg4[%mul3A_166, %mul3A_2] : memref<200x16384xf32, #tpu.memory_space<hbm>> -> memref<8x512xf32, #tpu.memory_space<hbm>>
        %dma_wait3A_169 = tpu.memref_slice %arg13[%dma_wait3A_167] : memref<3x!tpu.dma_semaphore, #tpu.memory_space<semaphore_mem>> -> memref<1x!tpu.dma_semaphore, #tpu.memory_space<semaphore_mem>>
        %dma_wait3A_170 = tpu.memref_squeeze %dma_wait3A_169 : memref<1x!tpu.dma_semaphore, #tpu.memory_space<semaphore_mem>> -> memref<!tpu.dma_semaphore, #tpu.memory_space<semaphore_mem>>
        %dma_wait3A_171 = tpu.memref_slice %arg4[%mul3A_166, %mul3A_2] : memref<200x16384xf32, #tpu.memory_space<hbm>> -> memref<8x512xf32, #tpu.memory_space<hbm>>
        tpu.wait_dma2 semaphore(%dma_wait3A_170 : memref<!tpu.dma_semaphore, #tpu.memory_space<semaphore_mem>>) src(%arg10 : memref<8x512xf32, #tpu.memory_space<vmem>>) dst(%dma_wait3A_171 : memref<8x512xf32, #tpu.memory_space<hbm>>)
      } else {
      }
      %parallel_loop3A_116 = arith.constant 0 : i32
      %parallel_loop3A_117 = arith.constant 256 : i32
      %parallel_loop3A_118 = arith.constant 1 : i32
      scf.for %parallel_loop3A_164 = %parallel_loop3A_116 to %parallel_loop3A_117 step %parallel_loop3A_118  : i32 {
        %parallel_loop3A_165 = arith.constant 5 : i32
        %parallel_loop3A_166 = arith.shrui %parallel_loop3A_164, %parallel_loop3A_165 : i32
        %parallel_loop3A_167 = arith.constant 31 : i32
        %parallel_loop3A_168 = arith.andi %parallel_loop3A_164, %parallel_loop3A_167 : i32
        %parallel_loop3A_169 = arith.constant 4 : i32
        %parallel_loop3A_170 = arith.shli %parallel_loop3A_168, %parallel_loop3A_169 : i32
        %parallel_loop3A_171 = arith.index_cast %parallel_loop3A_166 : i32 to index
        %parallel_loop3A_172 = arith.index_cast %parallel_loop3A_170 : i32 to index
        %parallel_loop3A_173 = tpu.vector_load %arg7[%parallel_loop3A_171, %parallel_loop3A_172] {strides = array<i32>} : memref<8x512xi32, #tpu.memory_space<vmem>>, vector<16xi32>,
        %parallel_loop3A_174 = arith.constant 0 : i32
        %parallel_loop3A_175 = vector.broadcast %parallel_loop3A_174 : i32 to vector<16xi32>
        %parallel_loop3A_176 = arith.maxsi %parallel_loop3A_173, %parallel_loop3A_175 : vector<16xi32>
        %parallel_loop3A_177 = arith.constant 99999 : i32
        %parallel_loop3A_178 = vector.broadcast %parallel_loop3A_177 : i32 to vector<16xi32>
        %parallel_loop3A_179 = arith.minsi %parallel_loop3A_176, %parallel_loop3A_178 : vector<16xi32>
        %parallel_loop3A_180 = tpu.vector_load_idx %arg5[%parallel_loop3A_179] : memref<100000xf32, #tpu.memory_space<vmem>>[vector<16xi32>], vector<16xf32>,
        %parallel_loop3A_181 = arith.index_cast %parallel_loop3A_166 : i32 to index
        %parallel_loop3A_182 = arith.index_cast %parallel_loop3A_170 : i32 to index
        %parallel_loop3A_183 = tpu.vector_load %arg10[%parallel_loop3A_181, %parallel_loop3A_182] {strides = array<i32>} : memref<8x512xf32, #tpu.memory_space<vmem>>, vector<16xf32>,
        tpu.vector_store %arg10[%parallel_loop3A_181, %parallel_loop3A_182], %parallel_loop3A_180 {strides = array<i32>} : memref<8x512xf32, #tpu.memory_space<vmem>>, vector<16xf32>,
      } {sc.loop_unroll_factor = 16 : i64, sc.parallel_access}
      %mul3A_119 = arith.constant 8 : i32
      %mul3A_120 = arith.muli %add3A_103, %mul3A_119 : i32
      %dma_start3A_121 = arith.constant 1 : i32
      %dma_start3A_122 = tpu.memref_slice %arg4[%mul3A_120, %mul3A_2] : memref<200x16384xf32, #tpu.memory_space<hbm>> -> memref<8x512xf32, #tpu.memory_space<hbm>>
      %dma_start3A_123 = tpu.memref_slice %arg13[%dma_start3A_121] : memref<3x!tpu.dma_semaphore, #tpu.memory_space<semaphore_mem>> -> memref<1x!tpu.dma_semaphore, #tpu.memory_space<semaphore_mem>>
      %dma_start3A_124 = tpu.memref_squeeze %dma_start3A_123 : memref<1x!tpu.dma_semaphore, #tpu.memory_space<semaphore_mem>> -> memref<!tpu.dma_semaphore, #tpu.memory_space<semaphore_mem>>
      %dma_start3A_125 = tpu.memref_slice %arg4[%mul3A_120, %mul3A_2] : memref<200x16384xf32, #tpu.memory_space<hbm>> -> memref<8x512xf32, #tpu.memory_space<hbm>>
      tpu.enqueue_dma source(%arg10 : memref<8x512xf32, #tpu.memory_space<vmem>>) target(%dma_start3A_125 : memref<8x512xf32, #tpu.memory_space<hbm>>) target_semaphore(%dma_start3A_124 : memref<!tpu.dma_semaphore, #tpu.memory_space<semaphore_mem>>)
      %add3A_126 = arith.constant 3 : i32
      %add3A_127 = arith.addi %add3A_103, %add3A_126 : i32
      %lt3A_128 = arith.constant 25 : i32
      %lt3A_129 = arith.cmpi slt, %add3A_127, %lt3A_128 : i32
      %convert_element_type3A_130 = arith.extui %lt3A_129 : i1 to i32
      %cond3A_131 = arith.constant 0 : i32
      %cond3A_132 = arith.cmpi ne, %convert_element_type3A_130, %cond3A_131 : i32
      scf.if %cond3A_132 {
        %add3A_164 = arith.constant 3 : i32
        %add3A_165 = arith.addi %add3A_103, %add3A_164 : i32
        %mul3A_166 = arith.constant 8 : i32
        %mul3A_167 = arith.muli %add3A_165, %mul3A_166 : i32
        %dma_start3A_168 = arith.constant 1 : i32
        %dma_start3A_169 = tpu.memref_slice %arg2[%mul3A_167, %mul3A_2] : memref<200x16384xi32, #tpu.memory_space<hbm>> -> memref<8x512xi32, #tpu.memory_space<hbm>>
        %dma_start3A_170 = tpu.memref_slice %arg12[%dma_start3A_168] : memref<3x!tpu.dma_semaphore, #tpu.memory_space<semaphore_mem>> -> memref<1x!tpu.dma_semaphore, #tpu.memory_space<semaphore_mem>>
        %dma_start3A_171 = tpu.memref_squeeze %dma_start3A_170 : memref<1x!tpu.dma_semaphore, #tpu.memory_space<semaphore_mem>> -> memref<!tpu.dma_semaphore, #tpu.memory_space<semaphore_mem>>
        %dma_start3A_172 = tpu.memref_slice %arg2[%mul3A_167, %mul3A_2] : memref<200x16384xi32, #tpu.memory_space<hbm>> -> memref<8x512xi32, #tpu.memory_space<hbm>>
        tpu.enqueue_dma source(%dma_start3A_172 : memref<8x512xi32, #tpu.memory_space<hbm>>) target(%arg7 : memref<8x512xi32, #tpu.memory_space<vmem>>) target_semaphore(%dma_start3A_171 : memref<!tpu.dma_semaphore, #tpu.memory_space<semaphore_mem>>)
      } else {
      }
      %add3A_133 = arith.constant 2 : i32
      %add3A_134 = arith.addi %add3A_74, %add3A_133 : i32
      %mul3A_135 = arith.constant 8 : i32
      %mul3A_136 = arith.muli %add3A_134, %mul3A_135 : i32
      %dma_wait3A_137 = arith.constant 2 : i32
      %dma_wait3A_138 = tpu.memref_slice %arg2[%mul3A_136, %mul3A_2] : memref<200x16384xi32, #tpu.memory_space<hbm>> -> memref<8x512xi32, #tpu.memory_space<hbm>>
      %dma_wait3A_139 = tpu.memref_slice %arg12[%dma_wait3A_137] : memref<3x!tpu.dma_semaphore, #tpu.memory_space<semaphore_mem>> -> memref<1x!tpu.dma_semaphore, #tpu.memory_space<semaphore_mem>>
      %dma_wait3A_140 = tpu.memref_squeeze %dma_wait3A_139 : memref<1x!tpu.dma_semaphore, #tpu.memory_space<semaphore_mem>> -> memref<!tpu.dma_semaphore, #tpu.memory_space<semaphore_mem>>
      %dma_wait3A_141 = tpu.memref_slice %arg2[%mul3A_136, %mul3A_2] : memref<200x16384xi32, #tpu.memory_space<hbm>> -> memref<8x512xi32, #tpu.memory_space<hbm>>
      tpu.wait_dma2 semaphore(%dma_wait3A_140 : memref<!tpu.dma_semaphore, #tpu.memory_space<semaphore_mem>>) src(%dma_wait3A_141 : memref<8x512xi32, #tpu.memory_space<hbm>>) dst(%arg8 : memref<8x512xi32, #tpu.memory_space<vmem>>)
      %ge3A_142 = arith.constant 3 : i32
      %ge3A_143 = arith.cmpi sge, %add3A_134, %ge3A_142 : i32
      %convert_element_type3A_144 = arith.extui %ge3A_143 : i1 to i32
      %cond3A_145 = arith.constant 0 : i32
      %cond3A_146 = arith.cmpi ne, %convert_element_type3A_144, %cond3A_145 : i32
      scf.if %cond3A_146 {
        %sub3A = arith.constant 3 : i32
        %sub3A_164 = arith.subi %add3A_134, %sub3A : i32
        %mul3A_165 = arith.constant 8 : i32
        %mul3A_166 = arith.muli %sub3A_164, %mul3A_165 : i32
        %dma_wait3A_167 = arith.constant 2 : i32
        %dma_wait3A_168 = tpu.memref_slice %arg4[%mul3A_166, %mul3A_2] : memref<200x16384xf32, #tpu.memory_space<hbm>> -> memref<8x512xf32, #tpu.memory_space<hbm>>
        %dma_wait3A_169 = tpu.memref_slice %arg13[%dma_wait3A_167] : memref<3x!tpu.dma_semaphore, #tpu.memory_space<semaphore_mem>> -> memref<1x!tpu.dma_semaphore, #tpu.memory_space<semaphore_mem>>
        %dma_wait3A_170 = tpu.memref_squeeze %dma_wait3A_169 : memref<1x!tpu.dma_semaphore, #tpu.memory_space<semaphore_mem>> -> memref<!tpu.dma_semaphore, #tpu.memory_space<semaphore_mem>>
        %dma_wait3A_171 = tpu.memref_slice %arg4[%mul3A_166, %mul3A_2] : memref<200x16384xf32, #tpu.memory_space<hbm>> -> memref<8x512xf32, #tpu.memory_space<hbm>>
        tpu.wait_dma2 semaphore(%dma_wait3A_170 : memref<!tpu.dma_semaphore, #tpu.memory_space<semaphore_mem>>) src(%arg11 : memref<8x512xf32, #tpu.memory_space<vmem>>) dst(%dma_wait3A_171 : memref<8x512xf32, #tpu.memory_space<hbm>>)
      } else {
      }
      %parallel_loop3A_147 = arith.constant 0 : i32
      %parallel_loop3A_148 = arith.constant 256 : i32
      %parallel_loop3A_149 = arith.constant 1 : i32
      scf.for %parallel_loop3A_164 = %parallel_loop3A_147 to %parallel_loop3A_148 step %parallel_loop3A_149  : i32 {
        %parallel_loop3A_165 = arith.constant 5 : i32
        %parallel_loop3A_166 = arith.shrui %parallel_loop3A_164, %parallel_loop3A_165 : i32
        %parallel_loop3A_167 = arith.constant 31 : i32
        %parallel_loop3A_168 = arith.andi %parallel_loop3A_164, %parallel_loop3A_167 : i32
        %parallel_loop3A_169 = arith.constant 4 : i32
        %parallel_loop3A_170 = arith.shli %parallel_loop3A_168, %parallel_loop3A_169 : i32
        %parallel_loop3A_171 = arith.index_cast %parallel_loop3A_166 : i32 to index
        %parallel_loop3A_172 = arith.index_cast %parallel_loop3A_170 : i32 to index
        %parallel_loop3A_173 = tpu.vector_load %arg8[%parallel_loop3A_171, %parallel_loop3A_172] {strides = array<i32>} : memref<8x512xi32, #tpu.memory_space<vmem>>, vector<16xi32>,
        %parallel_loop3A_174 = arith.constant 0 : i32
        %parallel_loop3A_175 = vector.broadcast %parallel_loop3A_174 : i32 to vector<16xi32>
        %parallel_loop3A_176 = arith.maxsi %parallel_loop3A_173, %parallel_loop3A_175 : vector<16xi32>
        %parallel_loop3A_177 = arith.constant 99999 : i32
        %parallel_loop3A_178 = vector.broadcast %parallel_loop3A_177 : i32 to vector<16xi32>
        %parallel_loop3A_179 = arith.minsi %parallel_loop3A_176, %parallel_loop3A_178 : vector<16xi32>
        %parallel_loop3A_180 = tpu.vector_load_idx %arg5[%parallel_loop3A_179] : memref<100000xf32, #tpu.memory_space<vmem>>[vector<16xi32>], vector<16xf32>,
        %parallel_loop3A_181 = arith.index_cast %parallel_loop3A_166 : i32 to index
        %parallel_loop3A_182 = arith.index_cast %parallel_loop3A_170 : i32 to index
        %parallel_loop3A_183 = tpu.vector_load %arg11[%parallel_loop3A_181, %parallel_loop3A_182] {strides = array<i32>} : memref<8x512xf32, #tpu.memory_space<vmem>>, vector<16xf32>,
        tpu.vector_store %arg11[%parallel_loop3A_181, %parallel_loop3A_182], %parallel_loop3A_180 {strides = array<i32>} : memref<8x512xf32, #tpu.memory_space<vmem>>, vector<16xf32>,
      } {sc.loop_unroll_factor = 16 : i64, sc.parallel_access}
      %mul3A_150 = arith.constant 8 : i32
      %mul3A_151 = arith.muli %add3A_134, %mul3A_150 : i32
      %dma_start3A_152 = arith.constant 2 : i32
      %dma_start3A_153 = tpu.memref_slice %arg4[%mul3A_151, %mul3A_2] : memref<200x16384xf32, #tpu.memory_space<hbm>> -> memref<8x512xf32, #tpu.memory_space<hbm>>
      %dma_start3A_154 = tpu.memref_slice %arg13[%dma_start3A_152] : memref<3x!tpu.dma_semaphore, #tpu.memory_space<semaphore_mem>> -> memref<1x!tpu.dma_semaphore, #tpu.memory_space<semaphore_mem>>
      %dma_start3A_155 = tpu.memref_squeeze %dma_start3A_154 : memref<1x!tpu.dma_semaphore, #tpu.memory_space<semaphore_mem>> -> memref<!tpu.dma_semaphore, #tpu.memory_space<semaphore_mem>>
      %dma_start3A_156 = tpu.memref_slice %arg4[%mul3A_151, %mul3A_2] : memref<200x16384xf32, #tpu.memory_space<hbm>> -> memref<8x512xf32, #tpu.memory_space<hbm>>
      tpu.enqueue_dma source(%arg11 : memref<8x512xf32, #tpu.memory_space<vmem>>) target(%dma_start3A_156 : memref<8x512xf32, #tpu.memory_space<hbm>>) target_semaphore(%dma_start3A_155 : memref<!tpu.dma_semaphore, #tpu.memory_space<semaphore_mem>>)
      %add3A_157 = arith.constant 3 : i32
      %add3A_158 = arith.addi %add3A_134, %add3A_157 : i32
      %lt3A_159 = arith.constant 25 : i32
      %lt3A_160 = arith.cmpi slt, %add3A_158, %lt3A_159 : i32
      %convert_element_type3A_161 = arith.extui %lt3A_160 : i1 to i32
      %cond3A_162 = arith.constant 0 : i32
      %cond3A_163 = arith.cmpi ne, %convert_element_type3A_161, %cond3A_162 : i32
      scf.if %cond3A_163 {
        %add3A_164 = arith.constant 3 : i32
        %add3A_165 = arith.addi %add3A_134, %add3A_164 : i32
        %mul3A_166 = arith.constant 8 : i32
        %mul3A_167 = arith.muli %add3A_165, %mul3A_166 : i32
        %dma_start3A_168 = arith.constant 2 : i32
        %dma_start3A_169 = tpu.memref_slice %arg2[%mul3A_167, %mul3A_2] : memref<200x16384xi32, #tpu.memory_space<hbm>> -> memref<8x512xi32, #tpu.memory_space<hbm>>
        %dma_start3A_170 = tpu.memref_slice %arg12[%dma_start3A_168] : memref<3x!tpu.dma_semaphore, #tpu.memory_space<semaphore_mem>> -> memref<1x!tpu.dma_semaphore, #tpu.memory_space<semaphore_mem>>
        %dma_start3A_171 = tpu.memref_squeeze %dma_start3A_170 : memref<1x!tpu.dma_semaphore, #tpu.memory_space<semaphore_mem>> -> memref<!tpu.dma_semaphore, #tpu.memory_space<semaphore_mem>>
        %dma_start3A_172 = tpu.memref_slice %arg2[%mul3A_167, %mul3A_2] : memref<200x16384xi32, #tpu.memory_space<hbm>> -> memref<8x512xi32, #tpu.memory_space<hbm>>
        tpu.enqueue_dma source(%dma_start3A_172 : memref<8x512xi32, #tpu.memory_space<hbm>>) target(%arg8 : memref<8x512xi32, #tpu.memory_space<vmem>>) target_semaphore(%dma_start3A_171 : memref<!tpu.dma_semaphore, #tpu.memory_space<semaphore_mem>>)
      } else {
      }
    }
    %scan3A_26 = arith.constant 8 : i32
    %dma_wait3A = arith.constant 0 : i32
    %dma_wait3A_27 = arith.constant 192 : i32
    %dma_wait3A_28 = tpu.memref_slice %arg2[%dma_wait3A_27, %mul3A_2] : memref<200x16384xi32, #tpu.memory_space<hbm>> -> memref<8x512xi32, #tpu.memory_space<hbm>>
    %dma_wait3A_29 = tpu.memref_slice %arg12[%dma_wait3A] : memref<3x!tpu.dma_semaphore, #tpu.memory_space<semaphore_mem>> -> memref<1x!tpu.dma_semaphore, #tpu.memory_space<semaphore_mem>>
    %dma_wait3A_30 = tpu.memref_squeeze %dma_wait3A_29 : memref<1x!tpu.dma_semaphore, #tpu.memory_space<semaphore_mem>> -> memref<!tpu.dma_semaphore, #tpu.memory_space<semaphore_mem>>
    %dma_wait3A_31 = arith.constant 192 : i32
    %dma_wait3A_32 = tpu.memref_slice %arg2[%dma_wait3A_31, %mul3A_2] : memref<200x16384xi32, #tpu.memory_space<hbm>> -> memref<8x512xi32, #tpu.memory_space<hbm>>
    tpu.wait_dma2 semaphore(%dma_wait3A_30 : memref<!tpu.dma_semaphore, #tpu.memory_space<semaphore_mem>>) src(%dma_wait3A_32 : memref<8x512xi32, #tpu.memory_space<hbm>>) dst(%arg6 : memref<8x512xi32, #tpu.memory_space<vmem>>)
    %dma_wait3A_33 = arith.constant 0 : i32
    %dma_wait3A_34 = arith.constant 168 : i32
    %dma_wait3A_35 = tpu.memref_slice %arg4[%dma_wait3A_34, %mul3A_2] : memref<200x16384xf32, #tpu.memory_space<hbm>> -> memref<8x512xf32, #tpu.memory_space<hbm>>
    %dma_wait3A_36 = tpu.memref_slice %arg13[%dma_wait3A_33] : memref<3x!tpu.dma_semaphore, #tpu.memory_space<semaphore_mem>> -> memref<1x!tpu.dma_semaphore, #tpu.memory_space<semaphore_mem>>
    %dma_wait3A_37 = tpu.memref_squeeze %dma_wait3A_36 : memref<1x!tpu.dma_semaphore, #tpu.memory_space<semaphore_mem>> -> memref<!tpu.dma_semaphore, #tpu.memory_space<semaphore_mem>>
    %dma_wait3A_38 = arith.constant 168 : i32
    %dma_wait3A_39 = tpu.memref_slice %arg4[%dma_wait3A_38, %mul3A_2] : memref<200x16384xf32, #tpu.memory_space<hbm>> -> memref<8x512xf32, #tpu.memory_space<hbm>>
    tpu.wait_dma2 semaphore(%dma_wait3A_37 : memref<!tpu.dma_semaphore, #tpu.memory_space<semaphore_mem>>) src(%arg9 : memref<8x512xf32, #tpu.memory_space<vmem>>) dst(%dma_wait3A_39 : memref<8x512xf32, #tpu.memory_space<hbm>>)
    %parallel_loop3A = arith.constant 0 : i32
    %parallel_loop3A_40 = arith.constant 256 : i32
    %parallel_loop3A_41 = arith.constant 1 : i32
    scf.for %parallel_loop3A_70 = %parallel_loop3A to %parallel_loop3A_40 step %parallel_loop3A_41  : i32 {
      %parallel_loop3A_71 = arith.constant 5 : i32
      %parallel_loop3A_72 = arith.shrui %parallel_loop3A_70, %parallel_loop3A_71 : i32
      %parallel_loop3A_73 = arith.constant 31 : i32
      %parallel_loop3A_74 = arith.andi %parallel_loop3A_70, %parallel_loop3A_73 : i32
      %parallel_loop3A_75 = arith.constant 4 : i32
      %parallel_loop3A_76 = arith.shli %parallel_loop3A_74, %parallel_loop3A_75 : i32
      %parallel_loop3A_77 = arith.index_cast %parallel_loop3A_72 : i32 to index
      %parallel_loop3A_78 = arith.index_cast %parallel_loop3A_76 : i32 to index
      %parallel_loop3A_79 = tpu.vector_load %arg6[%parallel_loop3A_77, %parallel_loop3A_78] {strides = array<i32>} : memref<8x512xi32, #tpu.memory_space<vmem>>, vector<16xi32>,
      %parallel_loop3A_80 = arith.constant 0 : i32
      %parallel_loop3A_81 = vector.broadcast %parallel_loop3A_80 : i32 to vector<16xi32>
      %parallel_loop3A_82 = arith.maxsi %parallel_loop3A_79, %parallel_loop3A_81 : vector<16xi32>
      %parallel_loop3A_83 = arith.constant 99999 : i32
      %parallel_loop3A_84 = vector.broadcast %parallel_loop3A_83 : i32 to vector<16xi32>
      %parallel_loop3A_85 = arith.minsi %parallel_loop3A_82, %parallel_loop3A_84 : vector<16xi32>
      %parallel_loop3A_86 = tpu.vector_load_idx %arg5[%parallel_loop3A_85] : memref<100000xf32, #tpu.memory_space<vmem>>[vector<16xi32>], vector<16xf32>,
      %parallel_loop3A_87 = arith.index_cast %parallel_loop3A_72 : i32 to index
      %parallel_loop3A_88 = arith.index_cast %parallel_loop3A_76 : i32 to index
      %parallel_loop3A_89 = tpu.vector_load %arg9[%parallel_loop3A_87, %parallel_loop3A_88] {strides = array<i32>} : memref<8x512xf32, #tpu.memory_space<vmem>>, vector<16xf32>,
      tpu.vector_store %arg9[%parallel_loop3A_87, %parallel_loop3A_88], %parallel_loop3A_86 {strides = array<i32>} : memref<8x512xf32, #tpu.memory_space<vmem>>, vector<16xf32>,
    } {sc.loop_unroll_factor = 16 : i64, sc.parallel_access}
    %dma_start3A_42 = arith.constant 0 : i32
    %dma_start3A_43 = arith.constant 192 : i32
    %dma_start3A_44 = tpu.memref_slice %arg4[%dma_start3A_43, %mul3A_2] : memref<200x16384xf32, #tpu.memory_space<hbm>> -> memref<8x512xf32, #tpu.memory_space<hbm>>
    %dma_start3A_45 = tpu.memref_slice %arg13[%dma_start3A_42] : memref<3x!tpu.dma_semaphore, #tpu.memory_space<semaphore_mem>> -> memref<1x!tpu.dma_semaphore, #tpu.memory_space<semaphore_mem>>
    %dma_start3A_46 = tpu.memref_squeeze %dma_start3A_45 : memref<1x!tpu.dma_semaphore, #tpu.memory_space<semaphore_mem>> -> memref<!tpu.dma_semaphore, #tpu.memory_space<semaphore_mem>>
    %dma_start3A_47 = arith.constant 192 : i32
    %dma_start3A_48 = tpu.memref_slice %arg4[%dma_start3A_47, %mul3A_2] : memref<200x16384xf32, #tpu.memory_space<hbm>> -> memref<8x512xf32, #tpu.memory_space<hbm>>
    tpu.enqueue_dma source(%arg9 : memref<8x512xf32, #tpu.memory_space<vmem>>) target(%dma_start3A_48 : memref<8x512xf32, #tpu.memory_space<hbm>>) target_semaphore(%dma_start3A_46 : memref<!tpu.dma_semaphore, #tpu.memory_space<semaphore_mem>>)
    %dma_wait3A_49 = arith.constant 1 : i32
    %dma_wait3A_50 = arith.constant 176 : i32
    %dma_wait3A_51 = tpu.memref_slice %arg4[%dma_wait3A_50, %mul3A_2] : memref<200x16384xf32, #tpu.memory_space<hbm>> -> memref<8x512xf32, #tpu.memory_space<hbm>>
    %dma_wait3A_52 = tpu.memref_slice %arg13[%dma_wait3A_49] : memref<3x!tpu.dma_semaphore, #tpu.memory_space<semaphore_mem>> -> memref<1x!tpu.dma_semaphore, #tpu.memory_space<semaphore_mem>>
    %dma_wait3A_53 = tpu.memref_squeeze %dma_wait3A_52 : memref<1x!tpu.dma_semaphore, #tpu.memory_space<semaphore_mem>> -> memref<!tpu.dma_semaphore, #tpu.memory_space<semaphore_mem>>
    %dma_wait3A_54 = arith.constant 176 : i32
    %dma_wait3A_55 = tpu.memref_slice %arg4[%dma_wait3A_54, %mul3A_2] : memref<200x16384xf32, #tpu.memory_space<hbm>> -> memref<8x512xf32, #tpu.memory_space<hbm>>
    tpu.wait_dma2 semaphore(%dma_wait3A_53 : memref<!tpu.dma_semaphore, #tpu.memory_space<semaphore_mem>>) src(%arg10 : memref<8x512xf32, #tpu.memory_space<vmem>>) dst(%dma_wait3A_55 : memref<8x512xf32, #tpu.memory_space<hbm>>)
    %dma_wait3A_56 = arith.constant 2 : i32
    %dma_wait3A_57 = arith.constant 184 : i32
    %dma_wait3A_58 = tpu.memref_slice %arg4[%dma_wait3A_57, %mul3A_2] : memref<200x16384xf32, #tpu.memory_space<hbm>> -> memref<8x512xf32, #tpu.memory_space<hbm>>
    %dma_wait3A_59 = tpu.memref_slice %arg13[%dma_wait3A_56] : memref<3x!tpu.dma_semaphore, #tpu.memory_space<semaphore_mem>> -> memref<1x!tpu.dma_semaphore, #tpu.memory_space<semaphore_mem>>
    %dma_wait3A_60 = tpu.memref_squeeze %dma_wait3A_59 : memref<1x!tpu.dma_semaphore, #tpu.memory_space<semaphore_mem>> -> memref<!tpu.dma_semaphore, #tpu.memory_space<semaphore_mem>>
    %dma_wait3A_61 = arith.constant 184 : i32
    %dma_wait3A_62 = tpu.memref_slice %arg4[%dma_wait3A_61, %mul3A_2] : memref<200x16384xf32, #tpu.memory_space<hbm>> -> memref<8x512xf32, #tpu.memory_space<hbm>>
    tpu.wait_dma2 semaphore(%dma_wait3A_60 : memref<!tpu.dma_semaphore, #tpu.memory_space<semaphore_mem>>) src(%arg11 : memref<8x512xf32, #tpu.memory_space<vmem>>) dst(%dma_wait3A_62 : memref<8x512xf32, #tpu.memory_space<hbm>>)
    %dma_wait3A_63 = arith.constant 0 : i32
    %dma_wait3A_64 = arith.constant 192 : i32
    %dma_wait3A_65 = tpu.memref_slice %arg4[%dma_wait3A_64, %mul3A_2] : memref<200x16384xf32, #tpu.memory_space<hbm>> -> memref<8x512xf32, #tpu.memory_space<hbm>>
    %dma_wait3A_66 = tpu.memref_slice %arg13[%dma_wait3A_63] : memref<3x!tpu.dma_semaphore, #tpu.memory_space<semaphore_mem>> -> memref<1x!tpu.dma_semaphore, #tpu.memory_space<semaphore_mem>>
    %dma_wait3A_67 = tpu.memref_squeeze %dma_wait3A_66 : memref<1x!tpu.dma_semaphore, #tpu.memory_space<semaphore_mem>> -> memref<!tpu.dma_semaphore, #tpu.memory_space<semaphore_mem>>
    %dma_wait3A_68 = arith.constant 192 : i32
    %dma_wait3A_69 = tpu.memref_slice %arg4[%dma_wait3A_68, %mul3A_2] : memref<200x16384xf32, #tpu.memory_space<hbm>> -> memref<8x512xf32, #tpu.memory_space<hbm>>
    tpu.wait_dma2 semaphore(%dma_wait3A_67 : memref<!tpu.dma_semaphore, #tpu.memory_space<semaphore_mem>>) src(%arg9 : memref<8x512xf32, #tpu.memory_space<vmem>>) dst(%dma_wait3A_69 : memref<8x512xf32, #tpu.memory_space<hbm>>)
    return
  }
}

</mosaic_0001>

<sc_bundles>
// kernel: kernel.3.cloned.1.call-start
scs
__scs_entry_jumppad:
0x0: {  	(pc) =	sbr.rel $0x88, $3  }
0x1: {  	(tag) =	ssettag $0x0;
	lr =	simm.s32 $0x1  }
0x2: {  	[smem:$0x3F9F] =	sst lr;
	_ =	strace $0xD0000000  }
0x3: {  	_ = 	snop  }
0x4: {  	_ = 	snop  }
0x5: {  	_ = 	snop  }
0x6: {  	_ = 	snop  }
0x7: {  	_ = 	snop  }
__scs_overlays_trampoline_lowered:
0x8: {  	[smem:$0x3FAE] =	sst s0  }
0x9: {  	[smem:$0x3FAF] =	sst s1  }
0xa: {  	[smem:$0x3FB0] =	sst s2  }
0xb: {  	[smem:$0x3FB1] =	sst s3  }
0xc: {  	[smem:$0x3FB2] =	sst s4  }
0xd: {  	[smem:$0x3FB3] =	sst s5  }
0xe: {  	[smem:$0x3FB4] =	sst s6  }
0xf: {  	[smem:$0x3FB5] =	sst s7  }
0x10: {  	[smem:$0x3FB6] =	sst s8  }
0x11: {  	[smem:$0x3FB7] =	sst s9;
	s0 =	simm.s32 @!p0 $0x0  }
0x12: {  	s1 =	sld [smem:$0x3F9D];
	s0 =	simm.s32 @p0 $0x1  }
0x13: {  	[smem:$0x3FB8] =	sst s0;
	s0 =	simm.s32 @!p1 $0x0  }
0x14: {  	s2 =	sld [smem:$0x3F9C];
	s0 =	simm.s32 @p1 $0x1  }
0x15: {  	[smem:$0x3FB9] =	sst s0;
	s0 =	simm.s32 @!p2 $0x0  }
0x16: {  	s3 =	sld [smem:$0x3FDB];
	s0 =	simm.s32 @p2 $0x1  }
0x17: {  	s4 =	simm.s32 $0x1BF5;
	[smem:$0x3FBB] =	sst s0  }
0x18: {  	s0 =	sld [smem:$0x3F9E];
	_ =	swait.ge [sflag:s4], $0x0  }
0x19: {  	s7 =	sld [smem:$0x3F9F]  }
0x1a: {  	s8 =	sadd.s32 $0xFFFFE003, lr  }
0x1b: {  	s9 =	sadd.s32 $0xFFFFFEF7, lr;
	s5 =	simm.s32 $0xFFFFFFFF;
	p2 =	slt.u32 s8, $0xFFFFF086  }
0x1c: {  	p1 =	slt.u32 s9, $0xF7A;
	s5 =	simm.s32 @!p2 $0x0  }
0x1d: {  	s5 =	simm.s32 @p1 $0x1;
	p0 =	seq.s32 s7, s2  }
0x1e: {  	s7 =	smul.u32 @!p0 $0xF7A, s2;
	p2 =	seq.s32 @!p0 s5, $0x0  }
0x1f: {  	s9 =	smul.u32 $0xF7A, s1;
	s8 =	simm.s32 @!p0 $0x1BF5;
	p2 =	por !p2, p0  }
0x20: {  	[sflag:s8] =	ssyncset.s32 @!p0 $0xFFFFF086;
	s6 =	sadd.s32 @!p0 s3, s7;
	s7 =	simm.s32 @!p0 $0x108  }
0x21: {  	s3 =	sadd.s32 s3, s9;
	s6 =	sadd.s32 @!p0 $0x88, s6;
	s7 =	simm.s32 @p2 $0x1082  }
0x22: {  	[simem:s7], [sflag:s8] =	dma.local @!p0 [hbm:s6], $0xF7A  }
0x23: {  	s9 =	sor.u32 $0xD0000000, s2;
	s6 =	simm.s32 $0x108;
	_ =	swait.ge @!p0 [sflag:s8], $0x0  }
0x24: {  	s3 =	sadd.s32 $0x88, s3;
	s6 =	simm.s32 @!p1 $0x1082;
	[sflag:s4] =	ssyncset.s32 $0xFFFFF086  }
0x25: {  	[simem:s6], [sflag:s4] =	dma.local [hbm:s3], $0xF7A  }
0x26: {  	[smem:$0x3F9F] =	sst s1;
	(tag) =	ssettag s2;
	_ =	strace s9  }
0x27: {  	s1 =	sld [smem:$0x3FAF]  }
0x28: {  	s2 =	sld [smem:$0x3FB0]  }
0x29: {  	s4 =	sld [smem:$0x3FB2]  }
0x2a: {  	p0 =	seq.s32 s5, $0x0;
	s5 =	sld [smem:$0x3FB3]  }
0x2b: {  	s6 =	sld [smem:$0x3FB4]  }
0x2c: {  	s7 =	sld [smem:$0x3FB5]  }
0x2d: {  	s3 =	simm.s32 $0x108;
	s8 =	sld [smem:$0x3FB6]  }
0x2e: {  	s3 =	simm.s32 @!p0 $0x1082;
	s9 =	sld [smem:$0x3FB7]  }
0x2f: {  	lr =	sadd.s32 s0, s3;
	s0 =	sld [smem:$0x3FAE]  }
0x30: {  	s3 =	sld [smem:$0x3FB1]  }
0x31: {  	[smem:$0x3FBA] =	sst s10  }
0x32: {  	s10 =	sld [smem:$0x3FB8];
	_ =	sdelay $0x3  }
0x33: {  	p0 =	seq.s32 s10, $0x1;
	s10 =	sld [smem:$0x3FBA];
	_ =	sdelay $0x3  }
0x34: {  	[smem:$0x3FBA] =	sst s10  }
0x35: {  	s10 =	sld [smem:$0x3FB9];
	_ =	sdelay $0x3  }
0x36: {  	p1 =	seq.s32 s10, $0x1;
	s10 =	sld [smem:$0x3FBA];
	_ =	sdelay $0x3  }
0x37: {  	[smem:$0x3FBA] =	sst s10  }
0x38: {  	s10 =	sld [smem:$0x3FBB]  }
0x39: {  	_ = 	snop;
	(pc) =	sbr.ind lr, $3  }
0x3a: {  	_ = 	snop  }
0x3b: {  	_ = 	snop  }
0x3c: {  	p2 =	seq.s32 s10, $0x1;
	s10 =	sld [smem:$0x3FBA]  }
0x3d: {  	_ =	shalt  }
0x3e: {  	_ =	shalt  }
0x3f: {  	_ =	shalt  }
0x40: {  	_ =	shalt  }
0x41: {  	_ =	shalt  }
0x42: {  	_ =	shalt  }
0x43: {  	_ =	shalt  }
0x44: {  	_ =	shalt  }
0x45: {  	_ =	shalt  }
0x46: {  	_ =	shalt  }
0x47: {  	_ =	shalt  }
0x48: {  	_ =	shalt  }
0x49: {  	_ =	shalt  }
0x4a: {  	_ =	shalt  }
0x4b: {  	_ =	shalt  }
0x4c: {  	_ =	shalt  }
0x4d: {  	_ =	shalt  }
0x4e: {  	_ =	shalt  }
0x4f: {  	_ =	shalt  }
0x50: {  	_ =	shalt  }
0x51: {  	_ =	shalt  }
0x52: {  	_ =	shalt  }
0x53: {  	_ =	shalt  }
0x54: {  	_ =	shalt  }
0x55: {  	_ =	shalt  }
0x56: {  	_ =	shalt  }
0x57: {  	_ =	shalt  }
0x58: {  	_ =	shalt  }
0x59: {  	_ =	shalt  }
0x5a: {  	_ =	shalt  }
0x5b: {  	_ =	shalt  }
0x5c: {  	_ =	shalt  }
0x5d: {  	_ =	shalt  }
0x5e: {  	_ =	shalt  }
0x5f: {  	_ =	shalt  }
0x60: {  	_ =	shalt  }
0x61: {  	_ =	shalt  }
0x62: {  	_ =	shalt  }
0x63: {  	_ =	shalt  }
0x64: {  	_ =	shalt  }
0x65: {  	_ =	shalt  }
0x66: {  	_ =	shalt  }
0x67: {  	_ =	shalt  }
0x68: {  	_ =	shalt  }
0x69: {  	_ =	shalt  }
0x6a: {  	_ =	shalt  }
0x6b: {  	_ =	shalt  }
0x6c: {  	_ =	shalt  }
0x6d: {  	_ =	shalt  }
0x6e: {  	_ =	shalt  }
0x6f: {  	_ =	shalt  }
0x70: {  	_ =	shalt  }
0x71: {  	_ =	shalt  }
0x72: {  	_ =	shalt  }
0x73: {  	_ =	shalt  }
0x74: {  	_ =	shalt  }
0x75: {  	_ =	shalt  }
0x76: {  	_ =	shalt  }
0x77: {  	_ =	shalt  }
0x78: {  	_ =	shalt  }
0x79: {  	_ =	shalt  }
0x7a: {  	_ =	shalt  }
0x7b: {  	_ =	shalt  }
0x7c: {  	_ =	shalt  }
0x7d: {  	_ =	shalt  }
0x7e: {  	_ =	shalt  }
0x7f: {  	_ =	shalt  }
0x80: {  	_ =	shalt  }
0x81: {  	_ =	shalt  }
0x82: {  	_ =	shalt  }
0x83: {  	_ =	shalt  }
0x84: {  	_ =	shalt  }
0x85: {  	_ =	shalt  }
0x86: {  	_ =	shalt  }
0x87: {  	_ =	shalt  }
.Lfunc_end0:
.L_simem_size_0:
called_computation_lowered:
.L_overlay_start_0:
0x88: {  	s2 =	sld [smem:$0x3FD9]  }
0x89: {  	s3 =	sld [smem:$0x3FFE];
	_ =	sdelay $0x1  }
0x8a: {  	s1 =	srdreg.scid  }
0x8b: {  	s0 =	sand.u32 $0x1, s1  }
0x8c: {  	s18 =	sshll.u32 s0, $0xA;
	s2 =	sadd.s32 s3, s2  }
0x8d: {  	s2 =	sadd.s32 s2, s18  }
0x8e: {  	[smem:$0x3FC6] =	sst s2  }
0x8f: {  	_ = 	snop  }
0x90: {  	s2 =	sld [smem:$0x3FC9]  }
0x91: {  	s19 =	sld [smem:$0x3FC8]  }
0x92: {  	s4 =	sld [smem:$0x3FD0];
	(tm) =	ssettm $0x1  }
0x93: {  	s5 =	sld [smem:$0x3FFB];
	_ =	sdelay $0x3  }
0x94: {  	_ =	strace s5  }
0x95: {  	s5 =	sld [smem:$0x3FFC];
	_ =	sdelay $0x3  }
0x96: {  	_ =	strace s5  }
0x97: {  	s5 =	sld [smem:$0x3FFD];
	_ =	sdelay $0x3  }
0x98: {  	_ =	strace s5  }
0x99: {  	_ =	strace $0x8FFFFFFF  }
0x9a: {  	s20 =	sld [smem:$0x3FDB];
	_ =	sdelay $0x1  }
0x9b: {  	s6 =	simm.s32 $_scs_section_size  }
0x9c: {  	s7 =	simm.s32 $_size__tile_overlayer_lowered;
	s8 =	simm.s32 $_tile_overlayer_lowered  }
0x9d: {  	s23 =	simm.s32 $0x1BFF;
	s22 =	sshll.u32 s8, $0x1;
	s5 =	sadd.s32 s6, s20  }
0x9e: {  	s9 =	simm.s32 $0x0;
	s21 =	sshll.u32 s7, $0x1;
	s7 =	sadd.s32 s22, s5  }
0x9f: {  	[timem:s9], [sflag:s23] =	dma.local [hbm:s7], s21  }
0xa0: {  	_ =	swait.ge [sflag:s23], s21  }
0xa1: {  	s6 =	ssub.s32 $0x0, s21;
	[sflag:s23] =	ssyncset.done $0x0  }
0xa2: {  	[sflag:s23] =	ssyncadd.s32 s6;
	_ =	sdelay $0x1  }
0xa3: {  	s24 =	simm.s32 $0x1B8B  }
0xa4: {  	_ =	swait.ge [sflag:s24], $0x1  }
0xa5: {  	[sflag:s24] =	ssyncset.done $0x0  }
0xa6: {  	s25 =	simm.s32 $0x1B8E;
	[sflag:s24] =	ssyncadd.s32 $0xFFFFFFFF  }
0xa7: {  	s26 =	simm.s32 $execute0_lowered;
	[smem:$0x3FD2] =	sst s25  }
0xa8: {  	s6 =	sshll.u32 s26, $0x1;
	_ =	strace $0x80000046;
	[dreg:$0x1] =	wrdreg $0xFFFFFFFF  }
0xa9: {  	s28 =	simm.s32 $_size_execute0_lowered;
	s5 =	sadd.s32 s5, s6;
	[dreg:$0x0] =	wrdreg $0x0  }
0xaa: {  	s6 =	sshll.u32 s28, $0x1;
	[dreg:$0x2] =	wrdreg s5  }
0xab: {  	[dreg:$0x3] =	wrdreg s6  }
0xac: {  	[dreg:$0x4] =	wrdreg $0xC0  }
0xad: {  	_ =	task [dreg:s9], $0x5FFFF  }
0xae: {  	[dreg:$0x1] =	wrdreg $0xFFFFFFFF  }
0xaf: {  	[dreg:$0x0] =	wrdreg $0x60  }
0xb0: {  	[dreg:$0x2] =	wrdreg s2  }
0xb1: {  	[dreg:$0x3] =	wrdreg s19  }
0xb2: {  	[dreg:$0x4] =	wrdreg s4  }
0xb3: {  	[dreg:$0x5] =	wrdreg $0x9  }
0xb4: {  	_ =	task.clear_ibuf [dreg:s9], $0x6FFFF;
	_ =	strace $0x90000046  }
0xb5: {  	s29 =	simm.s32 $0x9;
	_ =	strace $0x80000048  }
0xb6: {  	_ =	swait.ge [sflag:s29], $0x1  }
0xb7: {  	[sflag:s29] =	ssyncadd.s32 $0xFFFFFFFF  }
0xb8: {  	_ =	strace $0x90000048  }
0xb9: {  	_ =	sfence  }
0xba: {  	s30 =	sld [smem:$0x0];
	_ =	sdelay $0x2  }
0xbb: {  	s31 =	sshll.u32 s1, $0xD;
	s1 =	sshrl.u32 s1, $0x2  }
0xbc: {  	s3 =	sand.u32 $0x4000, s31;
	s1 =	sadd.s32 s1, s30  }
0xbd: {  	s0 =	sor.u32 s3, s0;
	s1 =	sshll.u32 s1, $0x11  }
0xbe: {  	s0 =	sor.u32 s1, s0  }
0xbf: {  	s0 =	sadd.s32 $0x8F2B, s0  }
0xc0: {  	[sflag:s0] =	ssyncadd.remote.s32 $0x1  }
0xc1: {  	_ =	sfence.sel $0xFFFF  }
0xc2: {  	[dreg:$0x0] =	wrdreg $0xFFFFFFFF;
	(pc) =	sbr.abs _section_cstart, $3  }
0xc3: {  	[dreg:$0x1] =	wrdreg $0xFFFFFFFF  }
0xc4: {  	_ =	task.clear_ibuf [dreg:s9], $0x2FFFF;
	_ =	strace $0x9FFFFFFF  }
0xc5: {  	(tm) =	ssettm $0x7FFFFFFF  }
tec
execute0_lowered:
.L_overlay_start_1:
0x0: {  	(tag) =	ssettag $0x1  }
0x1: {  	s2 =	rddreg [dreg:$0x0];
	s0 =	srdreg.scid  }
0x2: {  	s4 =	rddreg [dreg:$0x2];
	s1 =	stileid.u32;
	s5 =	simm.s32 $0x0  }
0x3: {  	s17 =	simm.s32 $0x18700;
	s21 =	simm.s32 $0x1;
	s22 =	simm.s32 $0x1B700  }
0x4: {  	s23 =	simm.s32 $0x2;
	s24 =	simm.s32 $0x1C700;
	s25 =	simm.s32 $0x3  }
0x5: {  	s28 =	simm.s32 $0x1D700;
	s0 =	sand.u32 $0x1, s0;
	s1 =	sshll.u32 s1, $0xD  }
0x6: {  	[smem:$0x7FF] =	sst s5;
	s3 =	sshll.u32 s0, $0xC;
	s0 =	ssub.s32 $0x2, s0  }
0x7: {  	_ =	strace $0x80000047;
	s6 =	sor.u32 s3, s1;
	s26 =	sshrl.u32 s0, $0x1  }
0x8: {  	s3 =	sshrl.u32 s6, $0x3;
	s0 =	ssub.s32 s0, s26;
	s30 =	sor.u32 $0x80000, s6  }
0x9: {  	s10 =	sor.u32 $0x60000, s6;
	s29 =	sadd.s32 s2, s3;
	[dreg:$0x7] =	wrdreg s30  }
0xa: {  	s11 =	sor.u32 $0x20000, s6;
	s0 =	smax.u32 s0, $0x1;
	[dreg:$0x4] =	wrdreg s29  }
0xb: {  	s13 =	sor.u32 $0x40000, s6;
	s7 =	sadd.s32 $0x4000, s29;
	[dreg:$0x9] =	wrdreg s0  }
0xc: {  	s31 =	sadd.s32 s3, s4;
	s1 =	sadd.s32 $0x8000, s29;
	[dreg:$0x5] =	wrdreg s7  }
0xd: {  	s14 =	sor.u32 $0xA0000, s6;
	[dreg:$0x6] =	wrdreg s1;
	s1 =	sadd.s32 $0x60000, s31  }
0xe: {  	s26 =	simm.s32 $0x6;
	[dreg:$0x8] =	wrdreg s1;
	s1 =	simm.s32 $0x0  }
.LBB2_1:
0xf: {  	[dreg:$0xa] =	wrdreg s1  }
0x10: {  	s0 =	rddreg [dreg:$0x4]  }
0x11: {  	[tilespmem:s17], [sflag:$0x1] =	stream.linear.gather [hbm4b:s0+s5], $0x1000, $0x38;
	[tilespmem:$0x1E700] =	vst v63  }
0x12: {  	s18 =	rddreg [dreg:$0x5];
	s19 =	simm.s32 $0x19700  }
0x13: {  	[tilespmem:s19], [sflag:$0x2] =	stream.linear.gather [hbm4b:s18+s5], $0x1000, $0x38;
	[tilespmem:$0x1E700] =	vst v63  }
0x14: {  	s20 =	rddreg [dreg:$0x6];
	s29 =	simm.s32 $0x1A700  }
0x15: {  	[tilespmem:s29], [sflag:$0x3] =	stream.linear.gather [hbm4b:s20+s5], $0x1000, $0x38;
	[tilespmem:$0x1E700] =	vst v63  }
0x16: {  	s30 =	rddreg [dreg:$0x1];
	s31 =	simm.s32 $0x7  }
0x17: {  	[tilespmem:s5], [sflag:$0x7] =	stream.linear.gather [hbm4b:s30+s5], $0x18700, $0x38;
	[tilespmem:$0x1E700] =	vst v63  }
0x18: {  	_ =	swait.ge [sflag:s31], $0x18700  }
0x19: {  	[sflag:s31] =	ssyncset.done $0x0  }
0x1a: {  	s0 =	simm.s32 $0x0;
	[sflag:s31] =	ssyncadd.s32 $0xFFFE7900  }
.LBB2_2:
0x1b: {  	_ =	swait.ge [sflag:s21], $0x1000;
	p0 =	seq.s32 s0, $0x0  }
0x1c: {  	p1 =	por $0x0, $0x0;
	s1 =	simm.s32 $0x1;
	[sflag:s21] =	ssyncset.done $0x0  }
0x1d: {  	s3 =	simm.s32 @!p0 $0x4;
	s1 =	simm.s32 @!p1 $0x0;
	[sflag:s21] =	ssyncadd.s32 $0xFFFFF000  }
0x1e: {  	s1 =	sshll.u32 s1, $0xB;
	_ =	swait.ge @!p0 [sflag:s3], $0x1000  }
0x1f: {  	s8 =	sadd.s32 $0x0, s1;
	[sflag:s3] =	ssyncset.done @!p0 $0x0  }
0x20: {  	s20 =	sor.u32 $0x470, s8;
	[sflag:s3] =	ssyncadd.s32 @!p0 $0xFFFFF000  }
0x21: {  	s18 =	sor.u32 $0x40, s8;
	v0 =	vld [tilespmem:s20+$0x18700]  }
0x22: {  	s16 =	sor.u32 $0x50, s8;
	v1 =	vld [tilespmem:s18+$0x18700]  }
0x23: {  	s15 =	sor.u32 $0x60, s8;
	v2 =	vld [tilespmem:s16+$0x18700]  }
0x24: {  	s12 =	sor.u32 $0x70, s8;
	v3 =	vld [tilespmem:s15+$0x18700]  }
0x25: {  	s7 =	sor.u32 $0x440, s8;
	v4 =	vld [tilespmem:s12+$0x18700]  }
0x26: {  	s1 =	simm.s32 $0x0;
	s9 =	sor.u32 $0x450, s8;
	v5 =	vld [tilespmem:s7+$0x18700]  }
0x27: {  	s31 =	sand.u32 $0x800, s1;
	s29 =	sand.u32 $0x380, s1;
	s8 =	sor.u32 $0x460, s8;
	v6 =	vld [tilespmem:s9+$0x18700]  }
0x28: {  	s3 =	sor.u32 s29, s31;
	v7 =	vld [tilespmem:s8+$0x18700]  }
0x29: {  	v8 =	vld [tilespmem:s3+$0x18700]  }
0x2a: {  	v9 =	vld [tilespmem:s3+$0x18710];
	vm0 =	vgt.s32 v0, $0x0  }
0x2b: {  	v10 =	vld [tilespmem:s3+$0x18720];
	vm14 =	vgt.s32 v1, $0x0;
	v0 =	vnsel vm0, $0x0, v0  }
0x2c: {  	v11 =	vld [tilespmem:s3+$0x18730];
	vm15 =	vgt.s32 v2, $0x0;
	v1 =	vnsel vm14, $0x0, v1;
	v0 =	vmin.u32 v0, $0x1869F  }
0x2d: {  	v12 =	vld [tilespmem:s3+$0x18B00];
	vm4 =	vgt.s32 v3, $0x0;
	v2 =	vnsel vm15, $0x0, v2;
	v1 =	vmin.u32 v1, $0x1869F  }
0x2e: {  	v13 =	vld [tilespmem:s3+$0x18B10];
	vm5 =	vgt.s32 v4, $0x0;
	v3 =	vnsel vm4, $0x0, v3;
	v2 =	vmin.u32 v2, $0x1869F  }
0x2f: {  	v14 =	vld [tilespmem:s3+$0x18B20];
	vm6 =	vgt.s32 v5, $0x0;
	v4 =	vnsel vm5, $0x0, v4;
	v3 =	vmin.u32 v3, $0x1869F  }
0x30: {  	v15 =	vld [tilespmem:s3+$0x18B30];
	vm7 =	vgt.s32 v6, $0x0;
	v5 =	vnsel vm6, $0x0, v5;
	v4 =	vmin.u32 v4, $0x1869F  }
0x31: {  	vm8 =	vgt.s32 v7, $0x0;
	v6 =	vnsel vm7, $0x0, v6;
	v5 =	vmin.u32 v5, $0x1869F;
	v0 =	vld.idx.msk [tilespmem:v0+s5+$0x0], $0xffff  }
0x32: {  	vm9 =	vgt.s32 v8, $0x0;
	v7 =	vnsel vm8, $0x0, v7;
	v6 =	vmin.u32 v6, $0x1869F;
	v1 =	vld.idx.msk [tilespmem:v1+s5+$0x0], $0xffff  }
0x33: {  	vm10 =	vgt.s32 v9, $0x0;
	v8 =	vnsel vm9, $0x0, v8;
	v7 =	vmin.u32 v7, $0x1869F;
	v2 =	vld.idx.msk [tilespmem:v2+s5+$0x0], $0xffff  }
0x34: {  	vm11 =	vgt.s32 v10, $0x0;
	v9 =	vnsel vm10, $0x0, v9;
	v8 =	vmin.u32 v8, $0x1869F;
	v3 =	vld.idx.msk [tilespmem:v3+s5+$0x0], $0xffff  }
0x35: {  	vm12 =	vgt.s32 v11, $0x0;
	v10 =	vnsel vm11, $0x0, v10;
	v9 =	vmin.u32 v9, $0x1869F;
	v4 =	vld.idx.msk [tilespmem:v4+s5+$0x0], $0xffff  }
0x36: {  	v11 =	vnsel vm12, $0x0, v11;
	v10 =	vmin.u32 v10, $0x1869F;
	v16 =	vld.idx.msk [tilespmem:v5+s5+$0x0], $0xffff  }
0x37: {  	vm13 =	vgt.s32 v12, $0x0;
	v11 =	vmin.u32 v11, $0x1869F;
	v6 =	vld.idx.msk [tilespmem:v6+s5+$0x0], $0xffff;
	[tilespmem:s20+$0x1B700] =	vst v0  }
0x38: {  	vm14 =	vgt.s32 v13, $0x0;
	v5 =	vld.idx.msk [tilespmem:v7+s5+$0x0], $0xffff;
	[tilespmem:s18+$0x1B700] =	vst v1;
	v0 =	vnsel vm13, $0x0, v12  }
0x39: {  	vm15 =	vgt.s32 v14, $0x0;
	v7 =	vnsel vm14, $0x0, v13;
	v1 =	vld.idx.msk [tilespmem:v8+s5+$0x0], $0xffff;
	[tilespmem:s16+$0x1B700] =	vst v2;
	v8 =	vmin.u32 v0, $0x1869F  }
0x3a: {  	vm1 =	vgt.s32 v15, $0x0;
	v2 =	vld.idx.msk [tilespmem:v9+s5+$0x0], $0xffff;
	[tilespmem:s15+$0x1B700] =	vst v3;
	v3 =	vnsel vm15, $0x0, v14;
	v9 =	vmin.u32 v7, $0x1869F  }
0x3b: {  	v63 =	vnsel vm1, $0x0, v15;
	[tilespmem:s12+$0x1B700] =	vst v4;
	v0 =	vld.idx.msk [tilespmem:v10+s5+$0x0], $0xffff;
	v7 =	vmin.u32 v3, $0x1869F  }
0x3c: {  	p1 =	por !p1, !p1;
	s15 =	simm.s32 $0x0;
	v4 =	vmin.u32 v63, $0x1869F;
	[tilespmem:s7+$0x1B700] =	vst v16;
	s16 =	simm.s32 $0x0;
	v3 =	vld.idx.msk [tilespmem:v11+s5+$0x0], $0xffff  }
.LBB2_3:
0x3d: {  	s7 =	simm.s32 $0x1  }
0x3e: {  	s15 =	sadd.s32 $0x10, s15;
	v8 =	vld.idx.msk [tilespmem:v8+s5+$0x0], $0xffff;
	[tilespmem:s9+$0x1B700] =	vst v6;
	s1 =	sadd.s32 $0x800, s1;
	s7 =	simm.s32 @!p1 $0x0  }
0x3f: {  	s16 =	sadd.s32 $0x40, s16;
	p2 =	slt.u32 s15, $0xF0;
	s7 =	sshll.u32 s7, $0xB;
	v6 =	vld.idx.msk [tilespmem:v9+s5+$0x0], $0xffff;
	[tilespmem:s8+$0x1B700] =	vst v5  }
0x40: {  	s9 =	sand.u32 $0x800, s1;
	s12 =	sand.u32 $0x380, s16;
	s8 =	sadd.s32 s7, s16;
	[tilespmem:s3+$0x1B700] =	vst v1;
	v1 =	vld.idx.msk [tilespmem:v7+s5+$0x0], $0xffff  }
0x41: {  	s31 =	sor.u32 $0x40, s8;
	s20 =	sor.u32 $0x50, s8;
	s18 =	sor.u32 $0x470, s8;
	[tilespmem:s3+$0x1B710] =	vst v2;
	v2 =	vld.idx.msk [tilespmem:v4+s5+$0x0], $0xffff  }
0x42: {  	s29 =	sor.u32 $0x60, s8;
	s30 =	sor.u32 $0x70, s8;
	s7 =	sor.u32 $0x440, s8;
	v4 =	vld [tilespmem:s18+$0x18700];
	[tilespmem:s3+$0x1B720] =	vst v0  }
0x43: {  	s12 =	sor.u32 s12, s9;
	s9 =	sor.u32 $0x450, s8;
	s8 =	sor.u32 $0x460, s8;
	v0 =	vld [tilespmem:s31+$0x18700];
	[tilespmem:s3+$0x1B730] =	vst v3  }
0x44: {  	v3 =	vld [tilespmem:s20+$0x18700];
	[tilespmem:s3+$0x1BB00] =	vst v8  }
0x45: {  	v5 =	vld [tilespmem:s29+$0x18700];
	[tilespmem:s3+$0x1BB10] =	vst v6  }
0x46: {  	v6 =	vld [tilespmem:s30+$0x18700];
	[tilespmem:s3+$0x1BB20] =	vst v1  }
0x47: {  	v1 =	vld [tilespmem:s7+$0x18700];
	vm0 =	vgt.s32 v4, $0x0;
	[tilespmem:s3+$0x1BB30] =	vst v2;
	s3 =	smov.u32 s12  }
0x48: {  	vm1 =	vgt.s32 v0, $0x0;
	v2 =	vld [tilespmem:s9+$0x18700];
	v4 =	vnsel vm0, $0x0, v4  }
0x49: {  	v0 =	vnsel vm1, $0x0, v0;
	vm0 =	vgt.s32 v3, $0x0;
	v7 =	vld [tilespmem:s8+$0x18700];
	v4 =	vmin.u32 v4, $0x1869F  }
0x4a: {  	v8 =	vld [tilespmem:s3+$0x18700];
	v0 =	vmin.u32 v0, $0x1869F;
	v3 =	vnsel vm0, $0x0, v3;
	vm0 =	vgt.s32 v5, $0x0  }
0x4b: {  	v9 =	vld [tilespmem:s3+$0x18710];
	v3 =	vmin.u32 v3, $0x1869F;
	v5 =	vnsel vm0, $0x0, v5;
	vm0 =	vgt.s32 v6, $0x0  }
0x4c: {  	v10 =	vld [tilespmem:s3+$0x18720];
	v5 =	vmin.u32 v5, $0x1869F;
	v6 =	vnsel vm0, $0x0, v6;
	vm0 =	vgt.s32 v1, $0x0  }
0x4d: {  	v11 =	vld [tilespmem:s3+$0x18730];
	v6 =	vmin.u32 v6, $0x1869F;
	v1 =	vnsel vm0, $0x0, v1;
	vm0 =	vgt.s32 v2, $0x0  }
0x4e: {  	v1 =	vmin.u32 v1, $0x1869F;
	v2 =	vnsel vm0, $0x0, v2;
	vm0 =	vgt.s32 v7, $0x0;
	v4 =	vld.idx.msk [tilespmem:v4+s5+$0x0], $0xffff  }
0x4f: {  	vm1 =	vgt.s32 v8, $0x0;
	v12 =	vld [tilespmem:s3+$0x18B00];
	v2 =	vmin.u32 v2, $0x1869F;
	v7 =	vnsel vm0, $0x0, v7  }
0x50: {  	v8 =	vnsel vm1, $0x0, v8;
	vm0 =	vgt.s32 v9, $0x0;
	v13 =	vld [tilespmem:s3+$0x18B10];
	v14 =	vmin.u32 v7, $0x1869F  }
0x51: {  	v15 =	vmin.u32 v8, $0x1869F;
	v7 =	vnsel vm0, $0x0, v9;
	vm0 =	vgt.s32 v10, $0x0;
	v16 =	vld [tilespmem:s3+$0x18B20]  }
0x52: {  	v17 =	vmin.u32 v7, $0x1869F;
	v7 =	vnsel vm0, $0x0, v10;
	vm0 =	vgt.s32 v11, $0x0;
	v10 =	vld [tilespmem:s3+$0x18B30]  }
0x53: {  	v18 =	vmin.u32 v7, $0x1869F;
	v7 =	vnsel vm0, $0x0, v11;
	v0 =	vld.idx.msk [tilespmem:v0+s5+$0x0], $0xffff  }
0x54: {  	v11 =	vmin.u32 v7, $0x1869F;
	v3 =	vld.idx.msk [tilespmem:v3+s5+$0x0], $0xffff;
	vm0 =	vgt.s32 v12, $0x0;
	[tilespmem:s18+$0x1B700] =	vst v4  }
0x55: {  	v19 =	vld.idx.msk [tilespmem:v5+s5+$0x0], $0xffff;
	v4 =	vnsel vm0, $0x0, v12;
	vm0 =	vgt.s32 v13, $0x0  }
0x56: {  	v12 =	vld.idx.msk [tilespmem:v6+s5+$0x0], $0xffff;
	v8 =	vmin.u32 v4, $0x1869F;
	v4 =	vnsel vm0, $0x0, v13;
	vm0 =	vgt.s32 v16, $0x0  }
0x57: {  	v9 =	vmin.u32 v4, $0x1869F;
	v4 =	vnsel vm0, $0x0, v16;
	vm0 =	vgt.s32 v10, $0x0;
	v13 =	vld.idx.msk [tilespmem:v1+s5+$0x0], $0xffff  }
0x58: {  	v7 =	vmin.u32 v4, $0x1869F;
	v1 =	vnsel vm0, $0x0, v10;
	v6 =	vld.idx.msk [tilespmem:v2+s5+$0x0], $0xffff  }
.Ltmp0:
0x59: {  	[tilespmem:s31+$0x1B700] =	vst v0;
	v4 =	vmin.u32 v1, $0x1869F;
	v5 =	vld.idx.msk [tilespmem:v14+s5+$0x0], $0xffff;
	(pc) =	sbr.rel @p2 .LBB2_3-.Ltmp0, $4  }
0x5a: {  	v1 =	vld.idx.msk [tilespmem:v15+s5+$0x0], $0xffff;
	[tilespmem:s20+$0x1B700] =	vst v3  }
0x5b: {  	v2 =	vld.idx.msk [tilespmem:v17+s5+$0x0], $0xffff;
	[tilespmem:s29+$0x1B700] =	vst v19  }
0x5c: {  	v0 =	vld.idx.msk [tilespmem:v18+s5+$0x0], $0xffff;
	[tilespmem:s30+$0x1B700] =	vst v12  }
0x5d: {  	p1 =	por !p1, !p1;
	v3 =	vld.idx.msk [tilespmem:v11+s5+$0x0], $0xffff;
	[tilespmem:s7+$0x1B700] =	vst v13  }
0x5e: {  	_ =	sdelay $0x2  }
0x5f: {  	[tilespmem:s9+$0x1B700] =	vst v6  }
0x60: {  	v6 =	vld.idx.msk [tilespmem:v8+s5+$0x0], $0xffff;
	[tilespmem:s8+$0x1B700] =	vst v5  }
0x61: {  	v5 =	vld.idx.msk [tilespmem:v9+s5+$0x0], $0xffff;
	[tilespmem:s3+$0x1B700] =	vst v1  }
0x62: {  	v1 =	vld.idx.msk [tilespmem:v7+s5+$0x0], $0xffff;
	[tilespmem:s3+$0x1B710] =	vst v2  }
0x63: {  	v2 =	vld.idx.msk [tilespmem:v4+s5+$0x0], $0xffff;
	[tilespmem:s3+$0x1B720] =	vst v0  }
0x64: {  	s1 =	smul.u32 $0x60000, s0;
	[tilespmem:s3+$0x1B730] =	vst v3  }
0x65: {  	[tilespmem:s3+$0x1BB00] =	vst v6  }
0x66: {  	s7 =	sor.u32 s6, s1;
	[tilespmem:s3+$0x1BB10] =	vst v5  }
0x67: {  	s18 =	sadd.s32 s10, s1;
	s7 =	sshrl.u32 s7, $0x3;
	[tilespmem:s3+$0x1BB20] =	vst v1  }
0x68: {  	s16 =	sadd.s32 s4, s7;
	[tilespmem:s3+$0x1BB30] =	vst v2;
	s3 =	sshrl.u32 s18, $0x3  }
0x69: {  	[hbm4b:s16+s5] =	stream.linear.scatter [tilespmem:s22], [sflag:$0x4], $0x1000, $0x38;
	[tilespmem:$0x1E700] =	vst v63  }
0x6a: {  	s3 =	sadd.s32 s2, s3  }
0x6b: {  	[tilespmem:s17], [sflag:$0x1] =	stream.linear.gather [hbm4b:s3+s5], $0x1000, $0x38;
	[tilespmem:$0x1E700] =	vst v63  }
0x6c: {  	_ =	swait.ge [sflag:s23], $0x1000  }
0x6d: {  	p1 =	por $0x0, $0x0;
	s3 =	simm.s32 $0x1;
	[sflag:s23] =	ssyncset.done $0x0  }
0x6e: {  	s7 =	simm.s32 @!p0 $0x5;
	s3 =	simm.s32 @!p1 $0x0;
	[sflag:s23] =	ssyncadd.s32 $0xFFFFF000  }
0x6f: {  	s3 =	sshll.u32 s3, $0xB;
	_ =	swait.ge @!p0 [sflag:s7], $0x1000  }
0x70: {  	s3 =	sadd.s32 $0x0, s3;
	[sflag:s7] =	ssyncset.done @!p0 $0x0  }
0x71: {  	s29 =	sor.u32 $0x470, s3;
	[sflag:s7] =	ssyncadd.s32 @!p0 $0xFFFFF000  }
0x72: {  	s20 =	sor.u32 $0x40, s3;
	v0 =	vld [tilespmem:s29+$0x19700]  }
0x73: {  	s18 =	sor.u32 $0x50, s3;
	v1 =	vld [tilespmem:s20+$0x19700]  }
0x74: {  	s16 =	sor.u32 $0x60, s3;
	v2 =	vld [tilespmem:s18+$0x19700]  }
0x75: {  	s12 =	sor.u32 $0x70, s3;
	v3 =	vld [tilespmem:s16+$0x19700]  }
0x76: {  	s19 =	sor.u32 $0x440, s3;
	v4 =	vld [tilespmem:s12+$0x19700]  }
0x77: {  	s8 =	simm.s32 $0x0;
	s15 =	sor.u32 $0x450, s3;
	v5 =	vld [tilespmem:s19+$0x19700]  }
0x78: {  	s30 =	sand.u32 $0x800, s8;
	s31 =	sand.u32 $0x380, s8;
	s9 =	sor.u32 $0x460, s3;
	v6 =	vld [tilespmem:s15+$0x19700]  }
0x79: {  	s3 =	sor.u32 s31, s30;
	v7 =	vld [tilespmem:s9+$0x19700]  }
0x7a: {  	v8 =	vld [tilespmem:s3+$0x19700]  }
0x7b: {  	v9 =	vld [tilespmem:s3+$0x19710];
	vm0 =	vgt.s32 v0, $0x0  }
0x7c: {  	v10 =	vld [tilespmem:s3+$0x19720];
	vm14 =	vgt.s32 v1, $0x0;
	v0 =	vnsel vm0, $0x0, v0  }
0x7d: {  	v11 =	vld [tilespmem:s3+$0x19730];
	vm15 =	vgt.s32 v2, $0x0;
	v1 =	vnsel vm14, $0x0, v1;
	v0 =	vmin.u32 v0, $0x1869F  }
0x7e: {  	v12 =	vld [tilespmem:s3+$0x19B00];
	vm4 =	vgt.s32 v3, $0x0;
	v2 =	vnsel vm15, $0x0, v2;
	v1 =	vmin.u32 v1, $0x1869F  }
0x7f: {  	v13 =	vld [tilespmem:s3+$0x19B10];
	vm5 =	vgt.s32 v4, $0x0;
	v3 =	vnsel vm4, $0x0, v3;
	v2 =	vmin.u32 v2, $0x1869F  }
0x80: {  	v14 =	vld [tilespmem:s3+$0x19B20];
	vm6 =	vgt.s32 v5, $0x0;
	v4 =	vnsel vm5, $0x0, v4;
	v3 =	vmin.u32 v3, $0x1869F  }
0x81: {  	v15 =	vld [tilespmem:s3+$0x19B30];
	vm7 =	vgt.s32 v6, $0x0;
	v5 =	vnsel vm6, $0x0, v5;
	v4 =	vmin.u32 v4, $0x1869F  }
0x82: {  	vm8 =	vgt.s32 v7, $0x0;
	v6 =	vnsel vm7, $0x0, v6;
	v5 =	vmin.u32 v5, $0x1869F;
	v0 =	vld.idx.msk [tilespmem:v0+s5+$0x0], $0xffff  }
0x83: {  	vm9 =	vgt.s32 v8, $0x0;
	v7 =	vnsel vm8, $0x0, v7;
	v6 =	vmin.u32 v6, $0x1869F;
	v1 =	vld.idx.msk [tilespmem:v1+s5+$0x0], $0xffff  }
0x84: {  	vm10 =	vgt.s32 v9, $0x0;
	v8 =	vnsel vm9, $0x0, v8;
	v7 =	vmin.u32 v7, $0x1869F;
	v2 =	vld.idx.msk [tilespmem:v2+s5+$0x0], $0xffff  }
0x85: {  	vm11 =	vgt.s32 v10, $0x0;
	v9 =	vnsel vm10, $0x0, v9;
	v8 =	vmin.u32 v8, $0x1869F;
	v3 =	vld.idx.msk [tilespmem:v3+s5+$0x0], $0xffff  }
0x86: {  	vm12 =	vgt.s32 v11, $0x0;
	v10 =	vnsel vm11, $0x0, v10;
	v9 =	vmin.u32 v9, $0x1869F;
	v4 =	vld.idx.msk [tilespmem:v4+s5+$0x0], $0xffff  }
0x87: {  	v11 =	vnsel vm12, $0x0, v11;
	v10 =	vmin.u32 v10, $0x1869F;
	v16 =	vld.idx.msk [tilespmem:v5+s5+$0x0], $0xffff  }
0x88: {  	vm13 =	vgt.s32 v12, $0x0;
	v11 =	vmin.u32 v11, $0x1869F;
	v6 =	vld.idx.msk [tilespmem:v6+s5+$0x0], $0xffff;
	[tilespmem:s29+$0x1C700] =	vst v0  }
0x89: {  	vm14 =	vgt.s32 v13, $0x0;
	v5 =	vld.idx.msk [tilespmem:v7+s5+$0x0], $0xffff;
	[tilespmem:s20+$0x1C700] =	vst v1;
	v0 =	vnsel vm13, $0x0, v12  }
0x8a: {  	vm15 =	vgt.s32 v14, $0x0;
	v7 =	vnsel vm14, $0x0, v13;
	v1 =	vld.idx.msk [tilespmem:v8+s5+$0x0], $0xffff;
	[tilespmem:s18+$0x1C700] =	vst v2;
	v8 =	vmin.u32 v0, $0x1869F  }
0x8b: {  	vm1 =	vgt.s32 v15, $0x0;
	v2 =	vld.idx.msk [tilespmem:v9+s5+$0x0], $0xffff;
	[tilespmem:s16+$0x1C700] =	vst v3;
	v3 =	vnsel vm15, $0x0, v14;
	v9 =	vmin.u32 v7, $0x1869F  }
0x8c: {  	v63 =	vnsel vm1, $0x0, v15;
	[tilespmem:s12+$0x1C700] =	vst v4;
	v0 =	vld.idx.msk [tilespmem:v10+s5+$0x0], $0xffff;
	v7 =	vmin.u32 v3, $0x1869F  }
0x8d: {  	p1 =	por !p1, !p1;
	s7 =	simm.s32 $0x0;
	s16 =	simm.s32 $0x0;
	v4 =	vmin.u32 v63, $0x1869F;
	[tilespmem:s19+$0x1C700] =	vst v16;
	v3 =	vld.idx.msk [tilespmem:v11+s5+$0x0], $0xffff  }
.LBB2_5:
0x8e: {  	s12 =	simm.s32 $0x1  }
0x8f: {  	s16 =	sadd.s32 $0x10, s16;
	v8 =	vld.idx.msk [tilespmem:v8+s5+$0x0], $0xffff;
	[tilespmem:s15+$0x1C700] =	vst v6;
	s8 =	sadd.s32 $0x800, s8;
	s12 =	simm.s32 @!p1 $0x0  }
0x90: {  	s7 =	sadd.s32 $0x40, s7;
	p2 =	slt.u32 s16, $0xF0;
	s12 =	sshll.u32 s12, $0xB;
	v6 =	vld.idx.msk [tilespmem:v9+s5+$0x0], $0xffff;
	[tilespmem:s9+$0x1C700] =	vst v5  }
0x91: {  	s15 =	sand.u32 $0x800, s8;
	s19 =	sand.u32 $0x380, s7;
	s9 =	sadd.s32 s12, s7;
	[tilespmem:s3+$0x1C700] =	vst v1;
	v1 =	vld.idx.msk [tilespmem:v7+s5+$0x0], $0xffff  }
0x92: {  	s18 =	sor.u32 $0x40, s9;
	s30 =	sor.u32 $0x50, s9;
	s12 =	sor.u32 $0x470, s9;
	[tilespmem:s3+$0x1C710] =	vst v2;
	v2 =	vld.idx.msk [tilespmem:v4+s5+$0x0], $0xffff  }
0x93: {  	s31 =	sor.u32 $0x60, s9;
	s29 =	sor.u32 $0x70, s9;
	s20 =	sor.u32 $0x440, s9;
	v4 =	vld [tilespmem:s12+$0x19700];
	[tilespmem:s3+$0x1C720] =	vst v0  }
0x94: {  	s19 =	sor.u32 s19, s15;
	s15 =	sor.u32 $0x450, s9;
	s9 =	sor.u32 $0x460, s9;
	v0 =	vld [tilespmem:s18+$0x19700];
	[tilespmem:s3+$0x1C730] =	vst v3  }
0x95: {  	v3 =	vld [tilespmem:s30+$0x19700];
	[tilespmem:s3+$0x1CB00] =	vst v8  }
0x96: {  	v5 =	vld [tilespmem:s31+$0x19700];
	[tilespmem:s3+$0x1CB10] =	vst v6  }
0x97: {  	v6 =	vld [tilespmem:s29+$0x19700];
	[tilespmem:s3+$0x1CB20] =	vst v1  }
0x98: {  	v1 =	vld [tilespmem:s20+$0x19700];
	vm0 =	vgt.s32 v4, $0x0;
	[tilespmem:s3+$0x1CB30] =	vst v2;
	s3 =	smov.u32 s19  }
0x99: {  	vm1 =	vgt.s32 v0, $0x0;
	v2 =	vld [tilespmem:s15+$0x19700];
	v4 =	vnsel vm0, $0x0, v4  }
0x9a: {  	v0 =	vnsel vm1, $0x0, v0;
	vm0 =	vgt.s32 v3, $0x0;
	v7 =	vld [tilespmem:s9+$0x19700];
	v4 =	vmin.u32 v4, $0x1869F  }
0x9b: {  	v8 =	vld [tilespmem:s3+$0x19700];
	v0 =	vmin.u32 v0, $0x1869F;
	v3 =	vnsel vm0, $0x0, v3;
	vm0 =	vgt.s32 v5, $0x0  }
0x9c: {  	v9 =	vld [tilespmem:s3+$0x19710];
	v3 =	vmin.u32 v3, $0x1869F;
	v5 =	vnsel vm0, $0x0, v5;
	vm0 =	vgt.s32 v6, $0x0  }
0x9d: {  	v10 =	vld [tilespmem:s3+$0x19720];
	v5 =	vmin.u32 v5, $0x1869F;
	v6 =	vnsel vm0, $0x0, v6;
	vm0 =	vgt.s32 v1, $0x0  }
0x9e: {  	v11 =	vld [tilespmem:s3+$0x19730];
	v6 =	vmin.u32 v6, $0x1869F;
	v1 =	vnsel vm0, $0x0, v1;
	vm0 =	vgt.s32 v2, $0x0  }
0x9f: {  	v1 =	vmin.u32 v1, $0x1869F;
	v2 =	vnsel vm0, $0x0, v2;
	vm0 =	vgt.s32 v7, $0x0;
	v4 =	vld.idx.msk [tilespmem:v4+s5+$0x0], $0xffff  }
0xa0: {  	vm1 =	vgt.s32 v8, $0x0;
	v12 =	vld [tilespmem:s3+$0x19B00];
	v2 =	vmin.u32 v2, $0x1869F;
	v7 =	vnsel vm0, $0x0, v7  }
0xa1: {  	v8 =	vnsel vm1, $0x0, v8;
	vm0 =	vgt.s32 v9, $0x0;
	v13 =	vld [tilespmem:s3+$0x19B10];
	v14 =	vmin.u32 v7, $0x1869F  }
0xa2: {  	v15 =	vmin.u32 v8, $0x1869F;
	v7 =	vnsel vm0, $0x0, v9;
	vm0 =	vgt.s32 v10, $0x0;
	v16 =	vld [tilespmem:s3+$0x19B20]  }
0xa3: {  	v17 =	vmin.u32 v7, $0x1869F;
	v7 =	vnsel vm0, $0x0, v10;
	vm0 =	vgt.s32 v11, $0x0;
	v10 =	vld [tilespmem:s3+$0x19B30]  }
0xa4: {  	v18 =	vmin.u32 v7, $0x1869F;
	v7 =	vnsel vm0, $0x0, v11;
	v0 =	vld.idx.msk [tilespmem:v0+s5+$0x0], $0xffff  }
0xa5: {  	v11 =	vmin.u32 v7, $0x1869F;
	v3 =	vld.idx.msk [tilespmem:v3+s5+$0x0], $0xffff;
	vm0 =	vgt.s32 v12, $0x0;
	[tilespmem:s12+$0x1C700] =	vst v4  }
0xa6: {  	v19 =	vld.idx.msk [tilespmem:v5+s5+$0x0], $0xffff;
	v4 =	vnsel vm0, $0x0, v12;
	vm0 =	vgt.s32 v13, $0x0  }
0xa7: {  	v12 =	vld.idx.msk [tilespmem:v6+s5+$0x0], $0xffff;
	v8 =	vmin.u32 v4, $0x1869F;
	v4 =	vnsel vm0, $0x0, v13;
	vm0 =	vgt.s32 v16, $0x0  }
0xa8: {  	v9 =	vmin.u32 v4, $0x1869F;
	v4 =	vnsel vm0, $0x0, v16;
	vm0 =	vgt.s32 v10, $0x0;
	v13 =	vld.idx.msk [tilespmem:v1+s5+$0x0], $0xffff  }
0xa9: {  	v7 =	vmin.u32 v4, $0x1869F;
	v1 =	vnsel vm0, $0x0, v10;
	v6 =	vld.idx.msk [tilespmem:v2+s5+$0x0], $0xffff  }
.Ltmp1:
0xaa: {  	[tilespmem:s18+$0x1C700] =	vst v0;
	v4 =	vmin.u32 v1, $0x1869F;
	v5 =	vld.idx.msk [tilespmem:v14+s5+$0x0], $0xffff;
	(pc) =	sbr.rel @p2 .LBB2_5-.Ltmp1, $4  }
0xab: {  	v1 =	vld.idx.msk [tilespmem:v15+s5+$0x0], $0xffff;
	[tilespmem:s30+$0x1C700] =	vst v3  }
0xac: {  	v2 =	vld.idx.msk [tilespmem:v17+s5+$0x0], $0xffff;
	[tilespmem:s31+$0x1C700] =	vst v19  }
0xad: {  	v0 =	vld.idx.msk [tilespmem:v18+s5+$0x0], $0xffff;
	[tilespmem:s29+$0x1C700] =	vst v12  }
0xae: {  	p1 =	por !p1, !p1;
	v3 =	vld.idx.msk [tilespmem:v11+s5+$0x0], $0xffff;
	[tilespmem:s20+$0x1C700] =	vst v13  }
0xaf: {  	_ =	sdelay $0x2  }
0xb0: {  	[tilespmem:s15+$0x1C700] =	vst v6  }
0xb1: {  	v60 =	vld.idx.msk [tilespmem:v8+s5+$0x0], $0xffff;
	[tilespmem:s9+$0x1C700] =	vst v5  }
0xb2: {  	v61 =	vld.idx.msk [tilespmem:v9+s5+$0x0], $0xffff;
	[tilespmem:s3+$0x1C700] =	vst v1  }
0xb3: {  	v62 =	vld.idx.msk [tilespmem:v7+s5+$0x0], $0xffff;
	[tilespmem:s3+$0x1C710] =	vst v2  }
0xb4: {  	v63 =	vld.idx.msk [tilespmem:v4+s5+$0x0], $0xffff;
	[tilespmem:s3+$0x1C720] =	vst v0  }
0xb5: {  	p1 =	sne.s32 s0, $0x7;
	[tilespmem:s3+$0x1C730] =	vst v3  }
.Ltmp2:
0xb6: {  	[tilespmem:s3+$0x1CB00] =	vst v60;
	(pc) =	sbr.rel @p1 .LBB2_8-.Ltmp2, $4  }
0xb7: {  	s7 =	sadd.s32 s11, s1;
	[tilespmem:s3+$0x1CB10] =	vst v61  }
0xb8: {  	s7 =	sshrl.u32 s7, $0x3;
	[tilespmem:s3+$0x1CB20] =	vst v62  }
0xb9: {  	s31 =	sadd.s32 s4, s7;
	[tilespmem:s3+$0x1CB30] =	vst v63  }
0xba: {  	[hbm4b:s31+s5] =	stream.linear.scatter [tilespmem:s24], [sflag:$0x5], $0x1000, $0x38;
	[tilespmem:$0x1E700] =	vst v63  }
.Ltmp3:
0xbb: {  	(pc) =	sbr.rel .LBB2_9-.Ltmp3, $4  }
0xbc: {  	_ = 	snop  }
0xbd: {  	_ =	swait.ge [sflag:s25], $0x1000  }
0xbe: {  	[sflag:s25] =	ssyncset.done $0x0  }
0xbf: {  	[sflag:s25] =	ssyncadd.s32 $0xFFFFF000  }
.LBB2_8:
0xc0: {  	s3 =	rddreg [dreg:$0x7]  }
0xc1: {  	s3 =	sadd.s32 s3, s1  }
0xc2: {  	s3 =	sshrl.u32 s3, $0x3  }
.Ltmp4:
0xc3: {  	s7 =	simm.s32 $0x19700;
	s3 =	sadd.s32 s2, s3;
	(pc) =	sbr.rel @p0 .LBB2_10-.Ltmp4, $4  }
0xc4: {  	[tilespmem:s7], [sflag:$0x2] =	stream.linear.gather [hbm4b:s3+s5], $0x1000, $0x38;
	[tilespmem:$0x1E700] =	vst v63  }
0xc5: {  	_ =	swait.ge [sflag:s25], $0x1000  }
0xc6: {  	[sflag:s25] =	ssyncset.done $0x0  }
0xc7: {  	[sflag:s25] =	ssyncadd.s32 $0xFFFFF000  }
.LBB2_9:
0xc8: {  	_ =	swait.ge [sflag:s26], $0x1000  }
0xc9: {  	[sflag:s26] =	ssyncset.done $0x0  }
0xca: {  	[sflag:s26] =	ssyncadd.s32 $0xFFFFF000  }
.LBB2_10:
0xcb: {  	p0 =	por $0x0, $0x0;
	s3 =	simm.s32 $0x1  }
0xcc: {  	s3 =	simm.s32 @!p0 $0x0  }
0xcd: {  	s3 =	sshll.u32 s3, $0xB  }
0xce: {  	s3 =	sadd.s32 $0x0, s3  }
0xcf: {  	s29 =	sor.u32 $0x470, s3  }
0xd0: {  	s20 =	sor.u32 $0x40, s3;
	v0 =	vld [tilespmem:s29+$0x1A700]  }
0xd1: {  	s18 =	sor.u32 $0x50, s3;
	v1 =	vld [tilespmem:s20+$0x1A700]  }
0xd2: {  	s16 =	sor.u32 $0x60, s3;
	v2 =	vld [tilespmem:s18+$0x1A700]  }
0xd3: {  	s12 =	sor.u32 $0x70, s3;
	v3 =	vld [tilespmem:s16+$0x1A700]  }
0xd4: {  	s7 =	sor.u32 $0x440, s3;
	v4 =	vld [tilespmem:s12+$0x1A700]  }
0xd5: {  	s8 =	simm.s32 $0x0;
	s15 =	sor.u32 $0x450, s3;
	v5 =	vld [tilespmem:s7+$0x1A700]  }
0xd6: {  	s19 =	sand.u32 $0x800, s8;
	s30 =	sand.u32 $0x380, s8;
	s9 =	sor.u32 $0x460, s3;
	v6 =	vld [tilespmem:s15+$0x1A700]  }
0xd7: {  	s3 =	sor.u32 s30, s19;
	v7 =	vld [tilespmem:s9+$0x1A700]  }
0xd8: {  	v8 =	vld [tilespmem:s3+$0x1A700]  }
0xd9: {  	v9 =	vld [tilespmem:s3+$0x1A710];
	vm0 =	vgt.s32 v0, $0x0  }
0xda: {  	v10 =	vld [tilespmem:s3+$0x1A720];
	vm14 =	vgt.s32 v1, $0x0;
	v0 =	vnsel vm0, $0x0, v0  }
0xdb: {  	v11 =	vld [tilespmem:s3+$0x1A730];
	vm15 =	vgt.s32 v2, $0x0;
	v1 =	vnsel vm14, $0x0, v1;
	v0 =	vmin.u32 v0, $0x1869F  }
0xdc: {  	v12 =	vld [tilespmem:s3+$0x1AB00];
	vm4 =	vgt.s32 v3, $0x0;
	v2 =	vnsel vm15, $0x0, v2;
	v1 =	vmin.u32 v1, $0x1869F  }
0xdd: {  	v13 =	vld [tilespmem:s3+$0x1AB10];
	vm5 =	vgt.s32 v4, $0x0;
	v3 =	vnsel vm4, $0x0, v3;
	v2 =	vmin.u32 v2, $0x1869F  }
0xde: {  	v14 =	vld [tilespmem:s3+$0x1AB20];
	vm6 =	vgt.s32 v5, $0x0;
	v4 =	vnsel vm5, $0x0, v4;
	v3 =	vmin.u32 v3, $0x1869F  }
0xdf: {  	v15 =	vld [tilespmem:s3+$0x1AB30];
	vm7 =	vgt.s32 v6, $0x0;
	v5 =	vnsel vm6, $0x0, v5;
	v4 =	vmin.u32 v4, $0x1869F  }
0xe0: {  	vm8 =	vgt.s32 v7, $0x0;
	v6 =	vnsel vm7, $0x0, v6;
	v5 =	vmin.u32 v5, $0x1869F;
	v0 =	vld.idx.msk [tilespmem:v0+s5+$0x0], $0xffff  }
0xe1: {  	vm9 =	vgt.s32 v8, $0x0;
	v7 =	vnsel vm8, $0x0, v7;
	v6 =	vmin.u32 v6, $0x1869F;
	v1 =	vld.idx.msk [tilespmem:v1+s5+$0x0], $0xffff  }
0xe2: {  	vm10 =	vgt.s32 v9, $0x0;
	v8 =	vnsel vm9, $0x0, v8;
	v7 =	vmin.u32 v7, $0x1869F;
	v2 =	vld.idx.msk [tilespmem:v2+s5+$0x0], $0xffff  }
0xe3: {  	vm11 =	vgt.s32 v10, $0x0;
	v9 =	vnsel vm10, $0x0, v9;
	v8 =	vmin.u32 v8, $0x1869F;
	v3 =	vld.idx.msk [tilespmem:v3+s5+$0x0], $0xffff  }
0xe4: {  	vm12 =	vgt.s32 v11, $0x0;
	v10 =	vnsel vm11, $0x0, v10;
	v9 =	vmin.u32 v9, $0x1869F;
	v4 =	vld.idx.msk [tilespmem:v4+s5+$0x0], $0xffff  }
0xe5: {  	v11 =	vnsel vm12, $0x0, v11;
	v10 =	vmin.u32 v10, $0x1869F;
	v16 =	vld.idx.msk [tilespmem:v5+s5+$0x0], $0xffff  }
0xe6: {  	vm13 =	vgt.s32 v12, $0x0;
	v11 =	vmin.u32 v11, $0x1869F;
	v6 =	vld.idx.msk [tilespmem:v6+s5+$0x0], $0xffff;
	[tilespmem:s29+$0x1D700] =	vst v0  }
0xe7: {  	vm14 =	vgt.s32 v13, $0x0;
	v5 =	vld.idx.msk [tilespmem:v7+s5+$0x0], $0xffff;
	[tilespmem:s20+$0x1D700] =	vst v1;
	v0 =	vnsel vm13, $0x0, v12  }
0xe8: {  	vm15 =	vgt.s32 v14, $0x0;
	v7 =	vnsel vm14, $0x0, v13;
	v1 =	vld.idx.msk [tilespmem:v8+s5+$0x0], $0xffff;
	[tilespmem:s18+$0x1D700] =	vst v2;
	v8 =	vmin.u32 v0, $0x1869F  }
0xe9: {  	vm1 =	vgt.s32 v15, $0x0;
	v2 =	vld.idx.msk [tilespmem:v9+s5+$0x0], $0xffff;
	[tilespmem:s16+$0x1D700] =	vst v3;
	v3 =	vnsel vm15, $0x0, v14;
	v9 =	vmin.u32 v7, $0x1869F  }
0xea: {  	v63 =	vnsel vm1, $0x0, v15;
	[tilespmem:s12+$0x1D700] =	vst v4;
	v0 =	vld.idx.msk [tilespmem:v10+s5+$0x0], $0xffff;
	v7 =	vmin.u32 v3, $0x1869F  }
0xeb: {  	p0 =	por !p0, !p0;
	s16 =	simm.s32 $0x0;
	v4 =	vmin.u32 v63, $0x1869F;
	[tilespmem:s7+$0x1D700] =	vst v16;
	s7 =	simm.s32 $0x0;
	v3 =	vld.idx.msk [tilespmem:v11+s5+$0x0], $0xffff  }
.LBB2_11:
0xec: {  	s12 =	simm.s32 $0x1  }
0xed: {  	s16 =	sadd.s32 $0x10, s16;
	v8 =	vld.idx.msk [tilespmem:v8+s5+$0x0], $0xffff;
	[tilespmem:s15+$0x1D700] =	vst v6;
	s8 =	sadd.s32 $0x800, s8;
	s12 =	simm.s32 @!p0 $0x0  }
0xee: {  	s7 =	sadd.s32 $0x40, s7;
	p1 =	slt.u32 s16, $0xF0;
	s12 =	sshll.u32 s12, $0xB;
	v6 =	vld.idx.msk [tilespmem:v9+s5+$0x0], $0xffff;
	[tilespmem:s9+$0x1D700] =	vst v5  }
0xef: {  	s15 =	sand.u32 $0x800, s8;
	s19 =	sand.u32 $0x380, s7;
	s9 =	sadd.s32 s12, s7;
	[tilespmem:s3+$0x1D700] =	vst v1;
	v1 =	vld.idx.msk [tilespmem:v7+s5+$0x0], $0xffff  }
0xf0: {  	s18 =	sor.u32 $0x40, s9;
	s29 =	sor.u32 $0x50, s9;
	s12 =	sor.u32 $0x470, s9;
	[tilespmem:s3+$0x1D710] =	vst v2;
	v2 =	vld.idx.msk [tilespmem:v4+s5+$0x0], $0xffff  }
0xf1: {  	s31 =	sor.u32 $0x60, s9;
	s30 =	sor.u32 $0x70, s9;
	s20 =	sor.u32 $0x440, s9;
	v4 =	vld [tilespmem:s12+$0x1A700];
	[tilespmem:s3+$0x1D720] =	vst v0  }
0xf2: {  	s19 =	sor.u32 s19, s15;
	s15 =	sor.u32 $0x450, s9;
	s9 =	sor.u32 $0x460, s9;
	v0 =	vld [tilespmem:s18+$0x1A700];
	[tilespmem:s3+$0x1D730] =	vst v3  }
0xf3: {  	v3 =	vld [tilespmem:s29+$0x1A700];
	[tilespmem:s3+$0x1DB00] =	vst v8  }
0xf4: {  	v5 =	vld [tilespmem:s31+$0x1A700];
	[tilespmem:s3+$0x1DB10] =	vst v6  }
0xf5: {  	v6 =	vld [tilespmem:s30+$0x1A700];
	[tilespmem:s3+$0x1DB20] =	vst v1  }
0xf6: {  	v1 =	vld [tilespmem:s20+$0x1A700];
	vm0 =	vgt.s32 v4, $0x0;
	[tilespmem:s3+$0x1DB30] =	vst v2;
	s3 =	smov.u32 s19  }
0xf7: {  	vm1 =	vgt.s32 v0, $0x0;
	v2 =	vld [tilespmem:s15+$0x1A700];
	v4 =	vnsel vm0, $0x0, v4  }
0xf8: {  	v0 =	vnsel vm1, $0x0, v0;
	vm0 =	vgt.s32 v3, $0x0;
	v7 =	vld [tilespmem:s9+$0x1A700];
	v4 =	vmin.u32 v4, $0x1869F  }
0xf9: {  	v8 =	vld [tilespmem:s3+$0x1A700];
	v0 =	vmin.u32 v0, $0x1869F;
	v3 =	vnsel vm0, $0x0, v3;
	vm0 =	vgt.s32 v5, $0x0  }
0xfa: {  	v9 =	vld [tilespmem:s3+$0x1A710];
	v3 =	vmin.u32 v3, $0x1869F;
	v5 =	vnsel vm0, $0x0, v5;
	vm0 =	vgt.s32 v6, $0x0  }
0xfb: {  	v10 =	vld [tilespmem:s3+$0x1A720];
	v5 =	vmin.u32 v5, $0x1869F;
	v6 =	vnsel vm0, $0x0, v6;
	vm0 =	vgt.s32 v1, $0x0  }
0xfc: {  	v11 =	vld [tilespmem:s3+$0x1A730];
	v6 =	vmin.u32 v6, $0x1869F;
	v1 =	vnsel vm0, $0x0, v1;
	vm0 =	vgt.s32 v2, $0x0  }
0xfd: {  	v1 =	vmin.u32 v1, $0x1869F;
	v2 =	vnsel vm0, $0x0, v2;
	vm0 =	vgt.s32 v7, $0x0;
	v4 =	vld.idx.msk [tilespmem:v4+s5+$0x0], $0xffff  }
0xfe: {  	vm1 =	vgt.s32 v8, $0x0;
	v12 =	vld [tilespmem:s3+$0x1AB00];
	v2 =	vmin.u32 v2, $0x1869F;
	v7 =	vnsel vm0, $0x0, v7  }
0xff: {  	v8 =	vnsel vm1, $0x0, v8;
	vm0 =	vgt.s32 v9, $0x0;
	v13 =	vld [tilespmem:s3+$0x1AB10];
	v14 =	vmin.u32 v7, $0x1869F  }
0x100: {  	v15 =	vmin.u32 v8, $0x1869F;
	v7 =	vnsel vm0, $0x0, v9;
	vm0 =	vgt.s32 v10, $0x0;
	v16 =	vld [tilespmem:s3+$0x1AB20]  }
0x101: {  	v17 =	vmin.u32 v7, $0x1869F;
	v7 =	vnsel vm0, $0x0, v10;
	vm0 =	vgt.s32 v11, $0x0;
	v10 =	vld [tilespmem:s3+$0x1AB30]  }
0x102: {  	v18 =	vmin.u32 v7, $0x1869F;
	v7 =	vnsel vm0, $0x0, v11;
	v0 =	vld.idx.msk [tilespmem:v0+s5+$0x0], $0xffff  }
0x103: {  	v11 =	vmin.u32 v7, $0x1869F;
	v3 =	vld.idx.msk [tilespmem:v3+s5+$0x0], $0xffff;
	vm0 =	vgt.s32 v12, $0x0;
	[tilespmem:s12+$0x1D700] =	vst v4  }
0x104: {  	v19 =	vld.idx.msk [tilespmem:v5+s5+$0x0], $0xffff;
	v4 =	vnsel vm0, $0x0, v12;
	vm0 =	vgt.s32 v13, $0x0  }
0x105: {  	v12 =	vld.idx.msk [tilespmem:v6+s5+$0x0], $0xffff;
	v8 =	vmin.u32 v4, $0x1869F;
	v4 =	vnsel vm0, $0x0, v13;
	vm0 =	vgt.s32 v16, $0x0  }
0x106: {  	v9 =	vmin.u32 v4, $0x1869F;
	v4 =	vnsel vm0, $0x0, v16;
	vm0 =	vgt.s32 v10, $0x0;
	v13 =	vld.idx.msk [tilespmem:v1+s5+$0x0], $0xffff  }
0x107: {  	v7 =	vmin.u32 v4, $0x1869F;
	v1 =	vnsel vm0, $0x0, v10;
	v6 =	vld.idx.msk [tilespmem:v2+s5+$0x0], $0xffff  }
.Ltmp5:
0x108: {  	[tilespmem:s18+$0x1D700] =	vst v0;
	v4 =	vmin.u32 v1, $0x1869F;
	v5 =	vld.idx.msk [tilespmem:v14+s5+$0x0], $0xffff;
	(pc) =	sbr.rel @p1 .LBB2_11-.Ltmp5, $4  }
0x109: {  	v1 =	vld.idx.msk [tilespmem:v15+s5+$0x0], $0xffff;
	[tilespmem:s29+$0x1D700] =	vst v3  }
0x10a: {  	v2 =	vld.idx.msk [tilespmem:v17+s5+$0x0], $0xffff;
	[tilespmem:s31+$0x1D700] =	vst v19  }
0x10b: {  	v0 =	vld.idx.msk [tilespmem:v18+s5+$0x0], $0xffff;
	[tilespmem:s30+$0x1D700] =	vst v12  }
0x10c: {  	p0 =	por !p0, !p0;
	v3 =	vld.idx.msk [tilespmem:v11+s5+$0x0], $0xffff;
	[tilespmem:s20+$0x1D700] =	vst v13  }
0x10d: {  	_ =	sdelay $0x2  }
0x10e: {  	[tilespmem:s15+$0x1D700] =	vst v6  }
0x10f: {  	v60 =	vld.idx.msk [tilespmem:v8+s5+$0x0], $0xffff;
	[tilespmem:s9+$0x1D700] =	vst v5  }
0x110: {  	v61 =	vld.idx.msk [tilespmem:v9+s5+$0x0], $0xffff;
	[tilespmem:s3+$0x1D700] =	vst v1  }
0x111: {  	v62 =	vld.idx.msk [tilespmem:v7+s5+$0x0], $0xffff;
	[tilespmem:s3+$0x1D710] =	vst v2  }
0x112: {  	v63 =	vld.idx.msk [tilespmem:v4+s5+$0x0], $0xffff;
	[tilespmem:s3+$0x1D720] =	vst v0  }
0x113: {  	p0 =	seq.s32 s0, $0x7;
	[tilespmem:s3+$0x1D730] =	vst v3  }
.Ltmp6:
0x114: {  	[tilespmem:s3+$0x1DB00] =	vst v60;
	(pc) =	sbr.rel @p0 .LBB2_14-.Ltmp6, $4  }
0x115: {  	s7 =	sadd.s32 s13, s1;
	[tilespmem:s3+$0x1DB10] =	vst v61  }
0x116: {  	s7 =	sshrl.u32 s7, $0x3;
	[tilespmem:s3+$0x1DB20] =	vst v62  }
0x117: {  	s31 =	sadd.s32 s4, s7;
	[tilespmem:s3+$0x1DB30] =	vst v63  }
0x118: {  	[hbm4b:s31+s5] =	stream.linear.scatter [tilespmem:s28], [sflag:$0x6], $0x1000, $0x38;
	[tilespmem:$0x1E700] =	vst v63  }
.Ltmp7:
0x119: {  	(pc) =	sbr.rel .LBB2_2-.Ltmp7, $4  }
0x11a: {  	s1 =	sadd.s32 s14, s1  }
0x11b: {  	s1 =	sshrl.u32 s1, $0x3  }
0x11c: {  	s3 =	simm.s32 $0x1A700;
	s0 =	sadd.s32 $0x1, s0;
	s1 =	sadd.s32 s2, s1  }
0x11d: {  	[tilespmem:s3], [sflag:$0x3] =	stream.linear.gather [hbm4b:s1+s5], $0x1000, $0x38;
	[tilespmem:$0x1E700] =	vst v63  }
.LBB2_14:
0x11e: {  	_ =	swait.ge [sflag:s21], $0x1000  }
0x11f: {  	p0 =	por $0x0, $0x0;
	s0 =	simm.s32 $0x1;
	[sflag:s21] =	ssyncset.done $0x0  }
0x120: {  	s30 =	simm.s32 $0x4;
	s0 =	simm.s32 @!p0 $0x0;
	[sflag:s21] =	ssyncadd.s32 $0xFFFFF000  }
0x121: {  	s0 =	sshll.u32 s0, $0xB;
	_ =	swait.ge [sflag:s30], $0x1000  }
0x122: {  	s0 =	sadd.s32 $0x0, s0;
	[sflag:s30] =	ssyncset.done $0x0  }
0x123: {  	s18 =	sor.u32 $0x470, s0;
	[sflag:s30] =	ssyncadd.s32 $0xFFFFF000  }
0x124: {  	s16 =	sor.u32 $0x40, s0;
	v0 =	vld [tilespmem:s18+$0x18700]  }
0x125: {  	s15 =	sor.u32 $0x50, s0;
	v1 =	vld [tilespmem:s16+$0x18700]  }
0x126: {  	s12 =	sor.u32 $0x60, s0;
	v2 =	vld [tilespmem:s15+$0x18700]  }
0x127: {  	s9 =	sor.u32 $0x70, s0;
	v3 =	vld [tilespmem:s12+$0x18700]  }
0x128: {  	s7 =	sor.u32 $0x440, s0;
	v4 =	vld [tilespmem:s9+$0x18700]  }
0x129: {  	s1 =	simm.s32 $0x0;
	s8 =	sor.u32 $0x450, s0;
	v5 =	vld [tilespmem:s7+$0x18700]  }
0x12a: {  	s19 =	sand.u32 $0x800, s1;
	s20 =	sand.u32 $0x380, s1;
	s3 =	sor.u32 $0x460, s0;
	v6 =	vld [tilespmem:s8+$0x18700]  }
0x12b: {  	s0 =	sor.u32 s20, s19;
	v7 =	vld [tilespmem:s3+$0x18700]  }
0x12c: {  	v8 =	vld [tilespmem:s0+$0x18700]  }
0x12d: {  	v9 =	vld [tilespmem:s0+$0x18710];
	vm0 =	vgt.s32 v0, $0x0  }
0x12e: {  	v10 =	vld [tilespmem:s0+$0x18720];
	vm14 =	vgt.s32 v1, $0x0;
	v0 =	vnsel vm0, $0x0, v0  }
0x12f: {  	v11 =	vld [tilespmem:s0+$0x18730];
	vm15 =	vgt.s32 v2, $0x0;
	v1 =	vnsel vm14, $0x0, v1;
	v0 =	vmin.u32 v0, $0x1869F  }
0x130: {  	v12 =	vld [tilespmem:s0+$0x18B00];
	vm4 =	vgt.s32 v3, $0x0;
	v2 =	vnsel vm15, $0x0, v2;
	v1 =	vmin.u32 v1, $0x1869F  }
0x131: {  	v13 =	vld [tilespmem:s0+$0x18B10];
	vm5 =	vgt.s32 v4, $0x0;
	v3 =	vnsel vm4, $0x0, v3;
	v2 =	vmin.u32 v2, $0x1869F  }
0x132: {  	v14 =	vld [tilespmem:s0+$0x18B20];
	vm6 =	vgt.s32 v5, $0x0;
	v4 =	vnsel vm5, $0x0, v4;
	v3 =	vmin.u32 v3, $0x1869F  }
0x133: {  	v15 =	vld [tilespmem:s0+$0x18B30];
	vm7 =	vgt.s32 v6, $0x0;
	v5 =	vnsel vm6, $0x0, v5;
	v4 =	vmin.u32 v4, $0x1869F  }
0x134: {  	vm8 =	vgt.s32 v7, $0x0;
	v6 =	vnsel vm7, $0x0, v6;
	v5 =	vmin.u32 v5, $0x1869F;
	v0 =	vld.idx.msk [tilespmem:v0+s5+$0x0], $0xffff  }
0x135: {  	vm9 =	vgt.s32 v8, $0x0;
	v7 =	vnsel vm8, $0x0, v7;
	v6 =	vmin.u32 v6, $0x1869F;
	v1 =	vld.idx.msk [tilespmem:v1+s5+$0x0], $0xffff  }
0x136: {  	vm10 =	vgt.s32 v9, $0x0;
	v8 =	vnsel vm9, $0x0, v8;
	v7 =	vmin.u32 v7, $0x1869F;
	v2 =	vld.idx.msk [tilespmem:v2+s5+$0x0], $0xffff  }
0x137: {  	vm11 =	vgt.s32 v10, $0x0;
	v9 =	vnsel vm10, $0x0, v9;
	v8 =	vmin.u32 v8, $0x1869F;
	v3 =	vld.idx.msk [tilespmem:v3+s5+$0x0], $0xffff  }
0x138: {  	vm12 =	vgt.s32 v11, $0x0;
	v10 =	vnsel vm11, $0x0, v10;
	v9 =	vmin.u32 v9, $0x1869F;
	v4 =	vld.idx.msk [tilespmem:v4+s5+$0x0], $0xffff  }
0x139: {  	v11 =	vnsel vm12, $0x0, v11;
	v10 =	vmin.u32 v10, $0x1869F;
	v16 =	vld.idx.msk [tilespmem:v5+s5+$0x0], $0xffff  }
0x13a: {  	vm13 =	vgt.s32 v12, $0x0;
	v11 =	vmin.u32 v11, $0x1869F;
	v6 =	vld.idx.msk [tilespmem:v6+s5+$0x0], $0xffff;
	[tilespmem:s18+$0x1B700] =	vst v0  }
0x13b: {  	vm14 =	vgt.s32 v13, $0x0;
	v5 =	vld.idx.msk [tilespmem:v7+s5+$0x0], $0xffff;
	[tilespmem:s16+$0x1B700] =	vst v1;
	v0 =	vnsel vm13, $0x0, v12  }
0x13c: {  	vm15 =	vgt.s32 v14, $0x0;
	v7 =	vnsel vm14, $0x0, v13;
	v1 =	vld.idx.msk [tilespmem:v8+s5+$0x0], $0xffff;
	[tilespmem:s15+$0x1B700] =	vst v2;
	v8 =	vmin.u32 v0, $0x1869F  }
0x13d: {  	vm1 =	vgt.s32 v15, $0x0;
	v2 =	vld.idx.msk [tilespmem:v9+s5+$0x0], $0xffff;
	[tilespmem:s12+$0x1B700] =	vst v3;
	v3 =	vnsel vm15, $0x0, v14;
	v9 =	vmin.u32 v7, $0x1869F  }
0x13e: {  	v63 =	vnsel vm1, $0x0, v15;
	[tilespmem:s9+$0x1B700] =	vst v4;
	v0 =	vld.idx.msk [tilespmem:v10+s5+$0x0], $0xffff;
	v7 =	vmin.u32 v3, $0x1869F  }
0x13f: {  	p0 =	por !p0, !p0;
	s9 =	simm.s32 $0x0;
	v4 =	vmin.u32 v63, $0x1869F;
	[tilespmem:s7+$0x1B700] =	vst v16;
	s7 =	simm.s32 $0x0;
	v3 =	vld.idx.msk [tilespmem:v11+s5+$0x0], $0xffff  }
.LBB2_15:
0x140: {  	s12 =	simm.s32 $0x1  }
0x141: {  	s9 =	sadd.s32 $0x10, s9;
	v8 =	vld.idx.msk [tilespmem:v8+s5+$0x0], $0xffff;
	[tilespmem:s8+$0x1B700] =	vst v6;
	s1 =	sadd.s32 $0x800, s1;
	s12 =	simm.s32 @!p0 $0x0  }
0x142: {  	s7 =	sadd.s32 $0x40, s7;
	p1 =	slt.u32 s9, $0xF0;
	s8 =	sshll.u32 s12, $0xB;
	v6 =	vld.idx.msk [tilespmem:v9+s5+$0x0], $0xffff;
	[tilespmem:s3+$0x1B700] =	vst v5  }
0x143: {  	s19 =	sand.u32 $0x380, s7;
	s3 =	sadd.s32 s8, s7;
	s8 =	sand.u32 $0x800, s1;
	[tilespmem:s0+$0x1B700] =	vst v1;
	v1 =	vld.idx.msk [tilespmem:v7+s5+$0x0], $0xffff  }
0x144: {  	s18 =	sor.u32 $0x40, s3;
	s16 =	sor.u32 $0x50, s3;
	s12 =	sor.u32 $0x470, s3;
	[tilespmem:s0+$0x1B710] =	vst v2;
	v2 =	vld.idx.msk [tilespmem:v4+s5+$0x0], $0xffff  }
0x145: {  	s29 =	sor.u32 $0x60, s3;
	s20 =	sor.u32 $0x70, s3;
	s15 =	sor.u32 $0x440, s3;
	v4 =	vld [tilespmem:s12+$0x18700];
	[tilespmem:s0+$0x1B720] =	vst v0  }
0x146: {  	s19 =	sor.u32 s19, s8;
	s8 =	sor.u32 $0x450, s3;
	s3 =	sor.u32 $0x460, s3;
	v0 =	vld [tilespmem:s18+$0x18700];
	[tilespmem:s0+$0x1B730] =	vst v3  }
0x147: {  	v3 =	vld [tilespmem:s16+$0x18700];
	[tilespmem:s0+$0x1BB00] =	vst v8  }
0x148: {  	v5 =	vld [tilespmem:s29+$0x18700];
	[tilespmem:s0+$0x1BB10] =	vst v6  }
0x149: {  	v6 =	vld [tilespmem:s20+$0x18700];
	[tilespmem:s0+$0x1BB20] =	vst v1  }
0x14a: {  	v1 =	vld [tilespmem:s15+$0x18700];
	vm0 =	vgt.s32 v4, $0x0;
	[tilespmem:s0+$0x1BB30] =	vst v2;
	s0 =	smov.u32 s19  }
0x14b: {  	vm1 =	vgt.s32 v0, $0x0;
	v2 =	vld [tilespmem:s8+$0x18700];
	v4 =	vnsel vm0, $0x0, v4  }
0x14c: {  	v0 =	vnsel vm1, $0x0, v0;
	vm0 =	vgt.s32 v3, $0x0;
	v7 =	vld [tilespmem:s3+$0x18700];
	v4 =	vmin.u32 v4, $0x1869F  }
0x14d: {  	v8 =	vld [tilespmem:s0+$0x18700];
	v0 =	vmin.u32 v0, $0x1869F;
	v3 =	vnsel vm0, $0x0, v3;
	vm0 =	vgt.s32 v5, $0x0  }
0x14e: {  	v9 =	vld [tilespmem:s0+$0x18710];
	v3 =	vmin.u32 v3, $0x1869F;
	v5 =	vnsel vm0, $0x0, v5;
	vm0 =	vgt.s32 v6, $0x0  }
0x14f: {  	v10 =	vld [tilespmem:s0+$0x18720];
	v5 =	vmin.u32 v5, $0x1869F;
	v6 =	vnsel vm0, $0x0, v6;
	vm0 =	vgt.s32 v1, $0x0  }
0x150: {  	v11 =	vld [tilespmem:s0+$0x18730];
	v6 =	vmin.u32 v6, $0x1869F;
	v1 =	vnsel vm0, $0x0, v1;
	vm0 =	vgt.s32 v2, $0x0  }
0x151: {  	v1 =	vmin.u32 v1, $0x1869F;
	v2 =	vnsel vm0, $0x0, v2;
	vm0 =	vgt.s32 v7, $0x0;
	v4 =	vld.idx.msk [tilespmem:v4+s5+$0x0], $0xffff  }
0x152: {  	vm1 =	vgt.s32 v8, $0x0;
	v12 =	vld [tilespmem:s0+$0x18B00];
	v2 =	vmin.u32 v2, $0x1869F;
	v7 =	vnsel vm0, $0x0, v7  }
0x153: {  	v8 =	vnsel vm1, $0x0, v8;
	vm0 =	vgt.s32 v9, $0x0;
	v13 =	vld [tilespmem:s0+$0x18B10];
	v14 =	vmin.u32 v7, $0x1869F  }
0x154: {  	v15 =	vmin.u32 v8, $0x1869F;
	v7 =	vnsel vm0, $0x0, v9;
	vm0 =	vgt.s32 v10, $0x0;
	v16 =	vld [tilespmem:s0+$0x18B20]  }
0x155: {  	v17 =	vmin.u32 v7, $0x1869F;
	v7 =	vnsel vm0, $0x0, v10;
	vm0 =	vgt.s32 v11, $0x0;
	v10 =	vld [tilespmem:s0+$0x18B30]  }
0x156: {  	v18 =	vmin.u32 v7, $0x1869F;
	v7 =	vnsel vm0, $0x0, v11;
	v0 =	vld.idx.msk [tilespmem:v0+s5+$0x0], $0xffff  }
0x157: {  	v11 =	vmin.u32 v7, $0x1869F;
	v3 =	vld.idx.msk [tilespmem:v3+s5+$0x0], $0xffff;
	vm0 =	vgt.s32 v12, $0x0;
	[tilespmem:s12+$0x1B700] =	vst v4  }
0x158: {  	v19 =	vld.idx.msk [tilespmem:v5+s5+$0x0], $0xffff;
	v4 =	vnsel vm0, $0x0, v12;
	vm0 =	vgt.s32 v13, $0x0  }
0x159: {  	v12 =	vld.idx.msk [tilespmem:v6+s5+$0x0], $0xffff;
	v8 =	vmin.u32 v4, $0x1869F;
	v4 =	vnsel vm0, $0x0, v13;
	vm0 =	vgt.s32 v16, $0x0  }
0x15a: {  	v9 =	vmin.u32 v4, $0x1869F;
	v4 =	vnsel vm0, $0x0, v16;
	vm0 =	vgt.s32 v10, $0x0;
	v13 =	vld.idx.msk [tilespmem:v1+s5+$0x0], $0xffff  }
0x15b: {  	v7 =	vmin.u32 v4, $0x1869F;
	v1 =	vnsel vm0, $0x0, v10;
	v6 =	vld.idx.msk [tilespmem:v2+s5+$0x0], $0xffff  }
.Ltmp8:
0x15c: {  	[tilespmem:s18+$0x1B700] =	vst v0;
	v4 =	vmin.u32 v1, $0x1869F;
	v5 =	vld.idx.msk [tilespmem:v14+s5+$0x0], $0xffff;
	(pc) =	sbr.rel @p1 .LBB2_15-.Ltmp8, $4  }
0x15d: {  	v1 =	vld.idx.msk [tilespmem:v15+s5+$0x0], $0xffff;
	[tilespmem:s16+$0x1B700] =	vst v3  }
0x15e: {  	v2 =	vld.idx.msk [tilespmem:v17+s5+$0x0], $0xffff;
	[tilespmem:s29+$0x1B700] =	vst v19  }
0x15f: {  	v0 =	vld.idx.msk [tilespmem:v18+s5+$0x0], $0xffff;
	[tilespmem:s20+$0x1B700] =	vst v12  }
0x160: {  	p0 =	por !p0, !p0;
	v3 =	vld.idx.msk [tilespmem:v11+s5+$0x0], $0xffff;
	[tilespmem:s15+$0x1B700] =	vst v13  }
0x161: {  	_ =	sdelay $0x2  }
0x162: {  	[tilespmem:s8+$0x1B700] =	vst v6  }
0x163: {  	v60 =	vld.idx.msk [tilespmem:v8+s5+$0x0], $0xffff;
	[tilespmem:s3+$0x1B700] =	vst v5  }
0x164: {  	v61 =	vld.idx.msk [tilespmem:v9+s5+$0x0], $0xffff;
	[tilespmem:s0+$0x1B700] =	vst v1  }
0x165: {  	v62 =	vld.idx.msk [tilespmem:v7+s5+$0x0], $0xffff;
	[tilespmem:s0+$0x1B710] =	vst v2  }
0x166: {  	v63 =	vld.idx.msk [tilespmem:v4+s5+$0x0], $0xffff;
	[tilespmem:s0+$0x1B720] =	vst v0  }
0x167: {  	[tilespmem:s0+$0x1B730] =	vst v3  }
0x168: {  	[tilespmem:s0+$0x1BB00] =	vst v60  }
0x169: {  	[tilespmem:s0+$0x1BB10] =	vst v61  }
0x16a: {  	[tilespmem:s0+$0x1BB20] =	vst v62  }
0x16b: {  	[tilespmem:s0+$0x1BB30] =	vst v63  }
0x16c: {  	s29 =	simm.s32 $0x5;
	s0 =	rddreg [dreg:$0x8]  }
0x16d: {  	[hbm4b:s0+s5] =	stream.linear.scatter [tilespmem:s22], [sflag:$0x4], $0x1000, $0x38;
	[tilespmem:$0x1E700] =	vst v63  }
0x16e: {  	_ =	swait.ge [sflag:s29], $0x1000  }
0x16f: {  	[sflag:s29] =	ssyncset.done $0x0  }
0x170: {  	[sflag:s29] =	ssyncadd.s32 $0xFFFFF000  }
0x171: {  	_ =	swait.ge [sflag:s26], $0x1000  }
0x172: {  	[sflag:s26] =	ssyncset.done $0x0  }
0x173: {  	[sflag:s26] =	ssyncadd.s32 $0xFFFFF000  }
0x174: {  	_ =	swait.ge [sflag:s30], $0x1000  }
0x175: {  	s1 =	rddreg [dreg:$0xa]  }
0x176: {  	s31 =	rddreg [dreg:$0x9];
	s1 =	sadd.s32 $0x1, s1  }
0x177: {  	p0 =	sne.s32 s1, s31  }
.Ltmp9:
0x178: {  	_ = 	snop;
	(pc) =	sbr.rel @p0 .LBB2_1-.Ltmp9, $3  }
0x179: {  	_ =	sdelay $0x1  }
0x17a: {  	[sflag:s30] =	ssyncset.done $0x0  }
0x17b: {  	[sflag:s30] =	ssyncadd.s32 $0xFFFFF000  }
0x17c: {  	_ =	sfence.sel $0x180000  }
0x17d: {  	[bflag:$0x0] =	sbarrier.arrive $0xFFFF  }
0x17e: {  	_ =	strace $0x90000047  }
0x17f: {  	s0 =	stileid.u32;
	[bflag:$0x2] =	sbarrier.arrive $0xFFFF  }
0x180: {  	p0 =	sne.s32 s0, $0x0;
	s0 =	rddreg [dreg:$0x3]  }
0x181: {  	s0 =	sadd.s32 @!p0 $0x100000, s0  }
0x182: {  	[sflag:s0] =	ssyncadd.tile.s32 @!p0 $0x1;
	_ =	shalt  }
.Lfunc_end2:
_tile_overlayer_lowered:
.L_overlay_start_2:
0x183: {  	(tag) =	ssettag $0x2  }
0x184: {  	s0 =	rddreg [dreg:$0x0];
	s2 =	stileid.u32  }
0x185: {  	s1 =	rddreg [dreg:$0x1];
	p0 =	sne.s32 s2, $0x0  }
0x186: {  	s3 =	rddreg [dreg:$0x2];
	[bflag:$0x3] =	sbarrier.arrive $0xFFFF;
	s2 =	simm.s32 @!p0 $0x1C07  }
0x187: {  	[timem:s3], [sflag:s2] =	dma.local @!p0 [hbm:s0], s1  }
0x188: {  	s0 =	simm.s32 @!p0 $0x7  }
0x189: {  	_ =	swait.ge @!p0 [sflag:s0], s1  }
0x18a: {  	s1 =	ssub.s32 @!p0 $0x0, s1;
	[sflag:s0] =	ssyncset.done @!p0 $0x0  }
0x18b: {  	[sflag:s0] =	ssyncadd.s32 @!p0 s1  }
0x18c: {  	[bflag:$0x3] =	sbarrier.arrive $0xFFFF  }
0x18d: {  	_ =	shalt  }

</sc_bundles>
